<compile_context>
chip_gen: v7x
topology: tpu7x:2x2x1
jax: 0.10.2.dev20260603
libtpu: 0.0.44.dev20260713+nightly
codegen_flags: <defaults>
</compile_context>

<pallas_src>
import functools

import jax
import jax.numpy as jnp
from jax import lax
from jax.experimental import pallas as pl
from jax.experimental.pallas import tpu as pltpu
from jax.experimental.pallas import tpu_sc as plsc

B, S = 4096, 200
D = 64
NTOT = B * S
NC, NS = 2, 16
NW = NC * NS
PER_W = NTOT // NW
CHUNK = 256
NSTEPS = PER_W // CHUNK
NBUF = 4
NGROUPS = NSTEPS // NBUF
assert NSTEPS % NBUF == 0


def _emb_body(x_hbm, table_hbm, out_hbm, idx_v, rows_v, isems, gsems, osems):
    wid = lax.axis_index("s") * NC + lax.axis_index("c")
    base = wid * PER_W

    def idx_copy(b, chunk):
        return pltpu.make_async_copy(
            x_hbm.at[pl.ds(base + chunk * CHUNK, CHUNK)], idx_v.at[b],
            isems.at[b])

    def gather_copy(b):
        return pltpu.make_async_copy(table_hbm.at[idx_v.at[b]], rows_v.at[b],
                                     gsems.at[b])

    def out_copy(b, chunk):
        return pltpu.make_async_copy(
            rows_v.at[b],
            out_hbm.at[pl.ds(base + chunk * CHUNK, CHUNK), pl.ds(0, D)],
            osems.at[b])

    for b in range(NBUF):
        idx_copy(b, b).start()
    for b in range(NBUF):
        idx_copy(b, b).wait()
        gather_copy(b).start()

    @pl.loop(NBUF, NSTEPS, step=NBUF)
    def _group(g):
        for b in range(NBUF):
            gather_copy(b).wait()
            idx_copy(b, g + b).start()
            out_copy(b, g - NBUF + b).start()
        for b in range(NBUF):
            out_copy(b, g - NBUF + b).wait()
            idx_copy(b, g + b).wait()
            gather_copy(b).start()

    for b in range(NBUF):
        gather_copy(b).wait()
        out_copy(b, NSTEPS - NBUF + b).start()
    for b in range(NBUF):
        out_copy(b, NSTEPS - NBUF + b).wait()


_emb = functools.partial(
    pl.kernel,
    out_type=jax.ShapeDtypeStruct((NTOT, 2 * D), jnp.float32),
    mesh=plsc.VectorSubcoreMesh(core_axis_name="c", subcore_axis_name="s"),
    scratch_types=[
        pltpu.VMEM((NBUF, CHUNK), jnp.int32),
        pltpu.VMEM((NBUF, CHUNK, D), jnp.float32),
        pltpu.SemaphoreType.DMA((NBUF,)),
        pltpu.SemaphoreType.DMA((NBUF,)),
        pltpu.SemaphoreType.DMA((NBUF,)),
    ],
    compiler_params=pltpu.CompilerParams(use_tc_tiling_on_sc=False),
)(_emb_body)


@jax.jit
def kernel(x, table):
    flat_idx = x.astype(jnp.int32).reshape(NTOT)
    out = _emb(flat_idx, table)
    return out.reshape(B, S, 2 * D)[..., :D]

# --- scband reference (transcript-rebuilt; emitter-appended) ---
"""Pipeline reference for scband-word-embedding-5566277615811 (READ-ONLY COPY).

The authoritative reference and input builder live on the scoring server;
editing this copy changes nothing except your own understanding.
"""

import jax, jax.numpy as jnp
import numpy as np

VOCAB = 1000000
D_MODEL = 64

def setup_inputs(seed: int = 0) -> dict:
    key = jax.random.key(seed)
    k1, k2 = jax.random.split(key)
    x = jax.random.randint(k1, (4096, 200), 0, VOCAB, dtype=jnp.int64 if jax.config.jax_enable_x64 else jnp.int32)
    table = jax.random.normal(k2, (VOCAB, D_MODEL), dtype=jnp.float32)
    return {"x": x, "table": table}

def reference(x, table):
    # nn.Embedding forward: gather rows of the embedding table
    return jnp.take(table, x, axis=0)

if __name__ == "__main__":
    import jax
    _d = setup_inputs()
    print(jax.jit(kernel)(*tuple(_d.values())))

</pallas_src>

<mosaic_0001>
#map = affine_map<(d0, d1) -> (0)>
#map1 = affine_map<(d0, d1) -> (0, 0)>
module attributes {stable_mosaic.version = 14 : i64} {
  func.func @_emb_body(%arg0: i32, %arg1: i32, %arg2: memref<819200xi32, #tpu.memory_space<hbm>>, %arg3: memref<1000000x64xf32, #tpu.memory_space<hbm>>, %arg4: memref<819200x128xf32, #tpu.memory_space<hbm>>, %arg5: memref<4x256xi32, #tpu.memory_space<vmem>>, %arg6: memref<4x256x64xf32, #tpu.memory_space<vmem>>, %arg7: memref<4x!tpu.dma_semaphore, #tpu.memory_space<semaphore_mem>>, %arg8: memref<4x!tpu.dma_semaphore, #tpu.memory_space<semaphore_mem>>, %arg9: memref<4x!tpu.dma_semaphore, #tpu.memory_space<semaphore_mem>>) attributes {dimension_semantics = [#tpu.dimension_semantics<core_parallel>, #tpu.dimension_semantics<subcore_parallel>], iteration_bounds = array<i64: 2, 16>, scalar_prefetch = 0 : i64, scratch_operands = 5 : i64, tpu.core_type = #tpu.core_type<sc_vector_subcore>, window_params = [{transform_indices = #map}, {transform_indices = #map1}, {transform_indices = #map1}]} {
    %mul3A = arith.constant 2 : i32
    %mul3A_0 = arith.muli %arg1, %mul3A : i32
    %add3A = arith.addi %mul3A_0, %arg0 : i32
    %mul3A_1 = arith.constant 25600 : i32
    %mul3A_2 = arith.muli %add3A, %mul3A_1 : i32
    %add3A_3 = arith.constant 0 : i32
    %add3A_4 = arith.addi %mul3A_2, %add3A_3 : i32
    %dma_start3A = arith.constant 0 : i32
    %dma_start3A_5 = arith.constant 0 : i32
    %dma_start3A_6 = arith.constant 0 : i32
    %dma_start3A_7 = tpu.memref_slice %arg5[%dma_start3A, %dma_start3A_6] : memref<4x256xi32, #tpu.memory_space<vmem>> -> memref<1x256xi32, #tpu.memory_space<vmem>>
    %dma_start3A_8 = tpu.memref_squeeze %dma_start3A_7 : memref<1x256xi32, #tpu.memory_space<vmem>> -> memref<256xi32, #tpu.memory_space<vmem>>
    %dma_start3A_9 = tpu.memref_slice %arg2[%add3A_4] : memref<819200xi32, #tpu.memory_space<hbm>> -> memref<256xi32, #tpu.memory_space<hbm>>
    %dma_start3A_10 = tpu.memref_slice %arg7[%dma_start3A_5] : memref<4x!tpu.dma_semaphore, #tpu.memory_space<semaphore_mem>> -> memref<1x!tpu.dma_semaphore, #tpu.memory_space<semaphore_mem>>
    %dma_start3A_11 = tpu.memref_squeeze %dma_start3A_10 : memref<1x!tpu.dma_semaphore, #tpu.memory_space<semaphore_mem>> -> memref<!tpu.dma_semaphore, #tpu.memory_space<semaphore_mem>>
    %dma_start3A_12 = arith.constant 0 : i32
    %dma_start3A_13 = tpu.memref_slice %arg5[%dma_start3A, %dma_start3A_12] : memref<4x256xi32, #tpu.memory_space<vmem>> -> memref<1x256xi32, #tpu.memory_space<vmem>>
    %dma_start3A_14 = tpu.memref_squeeze %dma_start3A_13 : memref<1x256xi32, #tpu.memory_space<vmem>> -> memref<256xi32, #tpu.memory_space<vmem>>
    %dma_start3A_15 = tpu.memref_slice %arg2[%add3A_4] : memref<819200xi32, #tpu.memory_space<hbm>> -> memref<256xi32, #tpu.memory_space<hbm>>
    tpu.enqueue_dma source(%dma_start3A_15 : memref<256xi32, #tpu.memory_space<hbm>>) target(%dma_start3A_14 : memref<256xi32, #tpu.memory_space<vmem>>) target_semaphore(%dma_start3A_11 : memref<!tpu.dma_semaphore, #tpu.memory_space<semaphore_mem>>)
    %add3A_16 = arith.constant 256 : i32
    %add3A_17 = arith.addi %mul3A_2, %add3A_16 : i32
    %dma_start3A_18 = arith.constant 1 : i32
    %dma_start3A_19 = arith.constant 1 : i32
    %dma_start3A_20 = arith.constant 0 : i32
    %dma_start3A_21 = tpu.memref_slice %arg5[%dma_start3A_18, %dma_start3A_20] : memref<4x256xi32, #tpu.memory_space<vmem>> -> memref<1x256xi32, #tpu.memory_space<vmem>>
    %dma_start3A_22 = tpu.memref_squeeze %dma_start3A_21 : memref<1x256xi32, #tpu.memory_space<vmem>> -> memref<256xi32, #tpu.memory_space<vmem>>
    %dma_start3A_23 = tpu.memref_slice %arg2[%add3A_17] : memref<819200xi32, #tpu.memory_space<hbm>> -> memref<256xi32, #tpu.memory_space<hbm>>
    %dma_start3A_24 = tpu.memref_slice %arg7[%dma_start3A_19] : memref<4x!tpu.dma_semaphore, #tpu.memory_space<semaphore_mem>> -> memref<1x!tpu.dma_semaphore, #tpu.memory_space<semaphore_mem>>
    %dma_start3A_25 = tpu.memref_squeeze %dma_start3A_24 : memref<1x!tpu.dma_semaphore, #tpu.memory_space<semaphore_mem>> -> memref<!tpu.dma_semaphore, #tpu.memory_space<semaphore_mem>>
    %dma_start3A_26 = arith.constant 0 : i32
    %dma_start3A_27 = tpu.memref_slice %arg5[%dma_start3A_18, %dma_start3A_26] : memref<4x256xi32, #tpu.memory_space<vmem>> -> memref<1x256xi32, #tpu.memory_space<vmem>>
    %dma_start3A_28 = tpu.memref_squeeze %dma_start3A_27 : memref<1x256xi32, #tpu.memory_space<vmem>> -> memref<256xi32, #tpu.memory_space<vmem>>
    %dma_start3A_29 = tpu.memref_slice %arg2[%add3A_17] : memref<819200xi32, #tpu.memory_space<hbm>> -> memref<256xi32, #tpu.memory_space<hbm>>
    tpu.enqueue_dma source(%dma_start3A_29 : memref<256xi32, #tpu.memory_space<hbm>>) target(%dma_start3A_28 : memref<256xi32, #tpu.memory_space<vmem>>) target_semaphore(%dma_start3A_25 : memref<!tpu.dma_semaphore, #tpu.memory_space<semaphore_mem>>)
    %add3A_30 = arith.constant 512 : i32
    %add3A_31 = arith.addi %mul3A_2, %add3A_30 : i32
    %dma_start3A_32 = arith.constant 2 : i32
    %dma_start3A_33 = arith.constant 2 : i32
    %dma_start3A_34 = arith.constant 0 : i32
    %dma_start3A_35 = tpu.memref_slice %arg5[%dma_start3A_32, %dma_start3A_34] : memref<4x256xi32, #tpu.memory_space<vmem>> -> memref<1x256xi32, #tpu.memory_space<vmem>>
    %dma_start3A_36 = tpu.memref_squeeze %dma_start3A_35 : memref<1x256xi32, #tpu.memory_space<vmem>> -> memref<256xi32, #tpu.memory_space<vmem>>
    %dma_start3A_37 = tpu.memref_slice %arg2[%add3A_31] : memref<819200xi32, #tpu.memory_space<hbm>> -> memref<256xi32, #tpu.memory_space<hbm>>
    %dma_start3A_38 = tpu.memref_slice %arg7[%dma_start3A_33] : memref<4x!tpu.dma_semaphore, #tpu.memory_space<semaphore_mem>> -> memref<1x!tpu.dma_semaphore, #tpu.memory_space<semaphore_mem>>
    %dma_start3A_39 = tpu.memref_squeeze %dma_start3A_38 : memref<1x!tpu.dma_semaphore, #tpu.memory_space<semaphore_mem>> -> memref<!tpu.dma_semaphore, #tpu.memory_space<semaphore_mem>>
    %dma_start3A_40 = arith.constant 0 : i32
    %dma_start3A_41 = tpu.memref_slice %arg5[%dma_start3A_32, %dma_start3A_40] : memref<4x256xi32, #tpu.memory_space<vmem>> -> memref<1x256xi32, #tpu.memory_space<vmem>>
    %dma_start3A_42 = tpu.memref_squeeze %dma_start3A_41 : memref<1x256xi32, #tpu.memory_space<vmem>> -> memref<256xi32, #tpu.memory_space<vmem>>
    %dma_start3A_43 = tpu.memref_slice %arg2[%add3A_31] : memref<819200xi32, #tpu.memory_space<hbm>> -> memref<256xi32, #tpu.memory_space<hbm>>
    tpu.enqueue_dma source(%dma_start3A_43 : memref<256xi32, #tpu.memory_space<hbm>>) target(%dma_start3A_42 : memref<256xi32, #tpu.memory_space<vmem>>) target_semaphore(%dma_start3A_39 : memref<!tpu.dma_semaphore, #tpu.memory_space<semaphore_mem>>)
    %add3A_44 = arith.constant 768 : i32
    %add3A_45 = arith.addi %mul3A_2, %add3A_44 : i32
    %dma_start3A_46 = arith.constant 3 : i32
    %dma_start3A_47 = arith.constant 3 : i32
    %dma_start3A_48 = arith.constant 0 : i32
    %dma_start3A_49 = tpu.memref_slice %arg5[%dma_start3A_46, %dma_start3A_48] : memref<4x256xi32, #tpu.memory_space<vmem>> -> memref<1x256xi32, #tpu.memory_space<vmem>>
    %dma_start3A_50 = tpu.memref_squeeze %dma_start3A_49 : memref<1x256xi32, #tpu.memory_space<vmem>> -> memref<256xi32, #tpu.memory_space<vmem>>
    %dma_start3A_51 = tpu.memref_slice %arg2[%add3A_45] : memref<819200xi32, #tpu.memory_space<hbm>> -> memref<256xi32, #tpu.memory_space<hbm>>
    %dma_start3A_52 = tpu.memref_slice %arg7[%dma_start3A_47] : memref<4x!tpu.dma_semaphore, #tpu.memory_space<semaphore_mem>> -> memref<1x!tpu.dma_semaphore, #tpu.memory_space<semaphore_mem>>
    %dma_start3A_53 = tpu.memref_squeeze %dma_start3A_52 : memref<1x!tpu.dma_semaphore, #tpu.memory_space<semaphore_mem>> -> memref<!tpu.dma_semaphore, #tpu.memory_space<semaphore_mem>>
    %dma_start3A_54 = arith.constant 0 : i32
    %dma_start3A_55 = tpu.memref_slice %arg5[%dma_start3A_46, %dma_start3A_54] : memref<4x256xi32, #tpu.memory_space<vmem>> -> memref<1x256xi32, #tpu.memory_space<vmem>>
    %dma_start3A_56 = tpu.memref_squeeze %dma_start3A_55 : memref<1x256xi32, #tpu.memory_space<vmem>> -> memref<256xi32, #tpu.memory_space<vmem>>
    %dma_start3A_57 = tpu.memref_slice %arg2[%add3A_45] : memref<819200xi32, #tpu.memory_space<hbm>> -> memref<256xi32, #tpu.memory_space<hbm>>
    tpu.enqueue_dma source(%dma_start3A_57 : memref<256xi32, #tpu.memory_space<hbm>>) target(%dma_start3A_56 : memref<256xi32, #tpu.memory_space<vmem>>) target_semaphore(%dma_start3A_53 : memref<!tpu.dma_semaphore, #tpu.memory_space<semaphore_mem>>)
    %add3A_58 = arith.constant 0 : i32
    %add3A_59 = arith.addi %mul3A_2, %add3A_58 : i32
    %dma_wait3A = arith.constant 0 : i32
    %dma_wait3A_60 = arith.constant 0 : i32
    %dma_wait3A_61 = arith.constant 0 : i32
    %dma_wait3A_62 = tpu.memref_slice %arg5[%dma_wait3A, %dma_wait3A_61] : memref<4x256xi32, #tpu.memory_space<vmem>> -> memref<1x256xi32, #tpu.memory_space<vmem>>
    %dma_wait3A_63 = tpu.memref_squeeze %dma_wait3A_62 : memref<1x256xi32, #tpu.memory_space<vmem>> -> memref<256xi32, #tpu.memory_space<vmem>>
    %dma_wait3A_64 = tpu.memref_slice %arg2[%add3A_59] : memref<819200xi32, #tpu.memory_space<hbm>> -> memref<256xi32, #tpu.memory_space<hbm>>
    %dma_wait3A_65 = tpu.memref_slice %arg7[%dma_wait3A_60] : memref<4x!tpu.dma_semaphore, #tpu.memory_space<semaphore_mem>> -> memref<1x!tpu.dma_semaphore, #tpu.memory_space<semaphore_mem>>
    %dma_wait3A_66 = tpu.memref_squeeze %dma_wait3A_65 : memref<1x!tpu.dma_semaphore, #tpu.memory_space<semaphore_mem>> -> memref<!tpu.dma_semaphore, #tpu.memory_space<semaphore_mem>>
    %dma_wait3A_67 = arith.constant 0 : i32
    %dma_wait3A_68 = tpu.memref_slice %arg5[%dma_wait3A, %dma_wait3A_67] : memref<4x256xi32, #tpu.memory_space<vmem>> -> memref<1x256xi32, #tpu.memory_space<vmem>>
    %dma_wait3A_69 = tpu.memref_squeeze %dma_wait3A_68 : memref<1x256xi32, #tpu.memory_space<vmem>> -> memref<256xi32, #tpu.memory_space<vmem>>
    %dma_wait3A_70 = tpu.memref_slice %arg2[%add3A_59] : memref<819200xi32, #tpu.memory_space<hbm>> -> memref<256xi32, #tpu.memory_space<hbm>>
    tpu.wait_dma2 semaphore(%dma_wait3A_66 : memref<!tpu.dma_semaphore, #tpu.memory_space<semaphore_mem>>) src(%dma_wait3A_70 : memref<256xi32, #tpu.memory_space<hbm>>) dst(%dma_wait3A_69 : memref<256xi32, #tpu.memory_space<vmem>>)
    %dma_start3A_71 = arith.constant 0 : i32
    %dma_start3A_72 = arith.constant 0 : i32
    %dma_start3A_73 = arith.constant 0 : i32
    %dma_start3A_74 = arith.constant 0 : i32
    %dma_start3A_75 = arith.constant 0 : i32
    %dma_start3A_76 = tpu.memref_slice %arg6[%dma_start3A_72, %dma_start3A_74, %dma_start3A_75] : memref<4x256x64xf32, #tpu.memory_space<vmem>> -> memref<1x256x64xf32, #tpu.memory_space<vmem>>
    %dma_start3A_77 = tpu.memref_squeeze %dma_start3A_76 : memref<1x256x64xf32, #tpu.memory_space<vmem>> -> memref<256x64xf32, #tpu.memory_space<vmem>>
    %dma_start3A_78 = arith.constant 0 : i32
    %dma_start3A_79 = tpu.memref_slice %arg5[%dma_start3A_71, %dma_start3A_78] : memref<4x256xi32, #tpu.memory_space<vmem>> -> memref<1x256xi32, #tpu.memory_space<vmem>>
    %dma_start3A_80 = tpu.memref_squeeze %dma_start3A_79 : memref<1x256xi32, #tpu.memory_space<vmem>> -> memref<256xi32, #tpu.memory_space<vmem>>
    %dma_start3A_81 = arith.constant 0 : i32
    %dma_start3A_82 = arith.constant 0 : i32
    %dma_start3A_83 = tpu.memref_slice %arg3[%dma_start3A_81, %dma_start3A_82] : memref<1000000x64xf32, #tpu.memory_space<hbm>> -> memref<1000000x64xf32, #tpu.memory_space<hbm>>
    %dma_start3A_84 = tpu.memref_slice %arg8[%dma_start3A_73] : memref<4x!tpu.dma_semaphore, #tpu.memory_space<semaphore_mem>> -> memref<1x!tpu.dma_semaphore, #tpu.memory_space<semaphore_mem>>
    %dma_start3A_85 = tpu.memref_squeeze %dma_start3A_84 : memref<1x!tpu.dma_semaphore, #tpu.memory_space<semaphore_mem>> -> memref<!tpu.dma_semaphore, #tpu.memory_space<semaphore_mem>>
    tpu.enqueue_indirect_dma source(%dma_start3A_83 : memref<1000000x64xf32, #tpu.memory_space<hbm>>) target(%dma_start3A_77 : memref<256x64xf32, #tpu.memory_space<vmem>>) offsets(%dma_start3A_80 : memref<256xi32, #tpu.memory_space<vmem>>) semaphore(%dma_start3A_85 : memref<!tpu.dma_semaphore, #tpu.memory_space<semaphore_mem>>)
    %add3A_86 = arith.constant 256 : i32
    %add3A_87 = arith.addi %mul3A_2, %add3A_86 : i32
    %dma_wait3A_88 = arith.constant 1 : i32
    %dma_wait3A_89 = arith.constant 1 : i32
    %dma_wait3A_90 = arith.constant 0 : i32
    %dma_wait3A_91 = tpu.memref_slice %arg5[%dma_wait3A_88, %dma_wait3A_90] : memref<4x256xi32, #tpu.memory_space<vmem>> -> memref<1x256xi32, #tpu.memory_space<vmem>>
    %dma_wait3A_92 = tpu.memref_squeeze %dma_wait3A_91 : memref<1x256xi32, #tpu.memory_space<vmem>> -> memref<256xi32, #tpu.memory_space<vmem>>
    %dma_wait3A_93 = tpu.memref_slice %arg2[%add3A_87] : memref<819200xi32, #tpu.memory_space<hbm>> -> memref<256xi32, #tpu.memory_space<hbm>>
    %dma_wait3A_94 = tpu.memref_slice %arg7[%dma_wait3A_89] : memref<4x!tpu.dma_semaphore, #tpu.memory_space<semaphore_mem>> -> memref<1x!tpu.dma_semaphore, #tpu.memory_space<semaphore_mem>>
    %dma_wait3A_95 = tpu.memref_squeeze %dma_wait3A_94 : memref<1x!tpu.dma_semaphore, #tpu.memory_space<semaphore_mem>> -> memref<!tpu.dma_semaphore, #tpu.memory_space<semaphore_mem>>
    %dma_wait3A_96 = arith.constant 0 : i32
    %dma_wait3A_97 = tpu.memref_slice %arg5[%dma_wait3A_88, %dma_wait3A_96] : memref<4x256xi32, #tpu.memory_space<vmem>> -> memref<1x256xi32, #tpu.memory_space<vmem>>
    %dma_wait3A_98 = tpu.memref_squeeze %dma_wait3A_97 : memref<1x256xi32, #tpu.memory_space<vmem>> -> memref<256xi32, #tpu.memory_space<vmem>>
    %dma_wait3A_99 = tpu.memref_slice %arg2[%add3A_87] : memref<819200xi32, #tpu.memory_space<hbm>> -> memref<256xi32, #tpu.memory_space<hbm>>
    tpu.wait_dma2 semaphore(%dma_wait3A_95 : memref<!tpu.dma_semaphore, #tpu.memory_space<semaphore_mem>>) src(%dma_wait3A_99 : memref<256xi32, #tpu.memory_space<hbm>>) dst(%dma_wait3A_98 : memref<256xi32, #tpu.memory_space<vmem>>)
    %dma_start3A_100 = arith.constant 1 : i32
    %dma_start3A_101 = arith.constant 1 : i32
    %dma_start3A_102 = arith.constant 1 : i32
    %dma_start3A_103 = arith.constant 0 : i32
    %dma_start3A_104 = arith.constant 0 : i32
    %dma_start3A_105 = tpu.memref_slice %arg6[%dma_start3A_101, %dma_start3A_103, %dma_start3A_104] : memref<4x256x64xf32, #tpu.memory_space<vmem>> -> memref<1x256x64xf32, #tpu.memory_space<vmem>>
    %dma_start3A_106 = tpu.memref_squeeze %dma_start3A_105 : memref<1x256x64xf32, #tpu.memory_space<vmem>> -> memref<256x64xf32, #tpu.memory_space<vmem>>
    %dma_start3A_107 = arith.constant 0 : i32
    %dma_start3A_108 = tpu.memref_slice %arg5[%dma_start3A_100, %dma_start3A_107] : memref<4x256xi32, #tpu.memory_space<vmem>> -> memref<1x256xi32, #tpu.memory_space<vmem>>
    %dma_start3A_109 = tpu.memref_squeeze %dma_start3A_108 : memref<1x256xi32, #tpu.memory_space<vmem>> -> memref<256xi32, #tpu.memory_space<vmem>>
    %dma_start3A_110 = arith.constant 0 : i32
    %dma_start3A_111 = arith.constant 0 : i32
    %dma_start3A_112 = tpu.memref_slice %arg3[%dma_start3A_110, %dma_start3A_111] : memref<1000000x64xf32, #tpu.memory_space<hbm>> -> memref<1000000x64xf32, #tpu.memory_space<hbm>>
    %dma_start3A_113 = tpu.memref_slice %arg8[%dma_start3A_102] : memref<4x!tpu.dma_semaphore, #tpu.memory_space<semaphore_mem>> -> memref<1x!tpu.dma_semaphore, #tpu.memory_space<semaphore_mem>>
    %dma_start3A_114 = tpu.memref_squeeze %dma_start3A_113 : memref<1x!tpu.dma_semaphore, #tpu.memory_space<semaphore_mem>> -> memref<!tpu.dma_semaphore, #tpu.memory_space<semaphore_mem>>
    tpu.enqueue_indirect_dma source(%dma_start3A_112 : memref<1000000x64xf32, #tpu.memory_space<hbm>>) target(%dma_start3A_106 : memref<256x64xf32, #tpu.memory_space<vmem>>) offsets(%dma_start3A_109 : memref<256xi32, #tpu.memory_space<vmem>>) semaphore(%dma_start3A_114 : memref<!tpu.dma_semaphore, #tpu.memory_space<semaphore_mem>>)
    %add3A_115 = arith.constant 512 : i32
    %add3A_116 = arith.addi %mul3A_2, %add3A_115 : i32
    %dma_wait3A_117 = arith.constant 2 : i32
    %dma_wait3A_118 = arith.constant 2 : i32
    %dma_wait3A_119 = arith.constant 0 : i32
    %dma_wait3A_120 = tpu.memref_slice %arg5[%dma_wait3A_117, %dma_wait3A_119] : memref<4x256xi32, #tpu.memory_space<vmem>> -> memref<1x256xi32, #tpu.memory_space<vmem>>
    %dma_wait3A_121 = tpu.memref_squeeze %dma_wait3A_120 : memref<1x256xi32, #tpu.memory_space<vmem>> -> memref<256xi32, #tpu.memory_space<vmem>>
    %dma_wait3A_122 = tpu.memref_slice %arg2[%add3A_116] : memref<819200xi32, #tpu.memory_space<hbm>> -> memref<256xi32, #tpu.memory_space<hbm>>
    %dma_wait3A_123 = tpu.memref_slice %arg7[%dma_wait3A_118] : memref<4x!tpu.dma_semaphore, #tpu.memory_space<semaphore_mem>> -> memref<1x!tpu.dma_semaphore, #tpu.memory_space<semaphore_mem>>
    %dma_wait3A_124 = tpu.memref_squeeze %dma_wait3A_123 : memref<1x!tpu.dma_semaphore, #tpu.memory_space<semaphore_mem>> -> memref<!tpu.dma_semaphore, #tpu.memory_space<semaphore_mem>>
    %dma_wait3A_125 = arith.constant 0 : i32
    %dma_wait3A_126 = tpu.memref_slice %arg5[%dma_wait3A_117, %dma_wait3A_125] : memref<4x256xi32, #tpu.memory_space<vmem>> -> memref<1x256xi32, #tpu.memory_space<vmem>>
    %dma_wait3A_127 = tpu.memref_squeeze %dma_wait3A_126 : memref<1x256xi32, #tpu.memory_space<vmem>> -> memref<256xi32, #tpu.memory_space<vmem>>
    %dma_wait3A_128 = tpu.memref_slice %arg2[%add3A_116] : memref<819200xi32, #tpu.memory_space<hbm>> -> memref<256xi32, #tpu.memory_space<hbm>>
    tpu.wait_dma2 semaphore(%dma_wait3A_124 : memref<!tpu.dma_semaphore, #tpu.memory_space<semaphore_mem>>) src(%dma_wait3A_128 : memref<256xi32, #tpu.memory_space<hbm>>) dst(%dma_wait3A_127 : memref<256xi32, #tpu.memory_space<vmem>>)
    %dma_start3A_129 = arith.constant 2 : i32
    %dma_start3A_130 = arith.constant 2 : i32
    %dma_start3A_131 = arith.constant 2 : i32
    %dma_start3A_132 = arith.constant 0 : i32
    %dma_start3A_133 = arith.constant 0 : i32
    %dma_start3A_134 = tpu.memref_slice %arg6[%dma_start3A_130, %dma_start3A_132, %dma_start3A_133] : memref<4x256x64xf32, #tpu.memory_space<vmem>> -> memref<1x256x64xf32, #tpu.memory_space<vmem>>
    %dma_start3A_135 = tpu.memref_squeeze %dma_start3A_134 : memref<1x256x64xf32, #tpu.memory_space<vmem>> -> memref<256x64xf32, #tpu.memory_space<vmem>>
    %dma_start3A_136 = arith.constant 0 : i32
    %dma_start3A_137 = tpu.memref_slice %arg5[%dma_start3A_129, %dma_start3A_136] : memref<4x256xi32, #tpu.memory_space<vmem>> -> memref<1x256xi32, #tpu.memory_space<vmem>>
    %dma_start3A_138 = tpu.memref_squeeze %dma_start3A_137 : memref<1x256xi32, #tpu.memory_space<vmem>> -> memref<256xi32, #tpu.memory_space<vmem>>
    %dma_start3A_139 = arith.constant 0 : i32
    %dma_start3A_140 = arith.constant 0 : i32
    %dma_start3A_141 = tpu.memref_slice %arg3[%dma_start3A_139, %dma_start3A_140] : memref<1000000x64xf32, #tpu.memory_space<hbm>> -> memref<1000000x64xf32, #tpu.memory_space<hbm>>
    %dma_start3A_142 = tpu.memref_slice %arg8[%dma_start3A_131] : memref<4x!tpu.dma_semaphore, #tpu.memory_space<semaphore_mem>> -> memref<1x!tpu.dma_semaphore, #tpu.memory_space<semaphore_mem>>
    %dma_start3A_143 = tpu.memref_squeeze %dma_start3A_142 : memref<1x!tpu.dma_semaphore, #tpu.memory_space<semaphore_mem>> -> memref<!tpu.dma_semaphore, #tpu.memory_space<semaphore_mem>>
    tpu.enqueue_indirect_dma source(%dma_start3A_141 : memref<1000000x64xf32, #tpu.memory_space<hbm>>) target(%dma_start3A_135 : memref<256x64xf32, #tpu.memory_space<vmem>>) offsets(%dma_start3A_138 : memref<256xi32, #tpu.memory_space<vmem>>) semaphore(%dma_start3A_143 : memref<!tpu.dma_semaphore, #tpu.memory_space<semaphore_mem>>)
    %add3A_144 = arith.constant 768 : i32
    %add3A_145 = arith.addi %mul3A_2, %add3A_144 : i32
    %dma_wait3A_146 = arith.constant 3 : i32
    %dma_wait3A_147 = arith.constant 3 : i32
    %dma_wait3A_148 = arith.constant 0 : i32
    %dma_wait3A_149 = tpu.memref_slice %arg5[%dma_wait3A_146, %dma_wait3A_148] : memref<4x256xi32, #tpu.memory_space<vmem>> -> memref<1x256xi32, #tpu.memory_space<vmem>>
    %dma_wait3A_150 = tpu.memref_squeeze %dma_wait3A_149 : memref<1x256xi32, #tpu.memory_space<vmem>> -> memref<256xi32, #tpu.memory_space<vmem>>
    %dma_wait3A_151 = tpu.memref_slice %arg2[%add3A_145] : memref<819200xi32, #tpu.memory_space<hbm>> -> memref<256xi32, #tpu.memory_space<hbm>>
    %dma_wait3A_152 = tpu.memref_slice %arg7[%dma_wait3A_147] : memref<4x!tpu.dma_semaphore, #tpu.memory_space<semaphore_mem>> -> memref<1x!tpu.dma_semaphore, #tpu.memory_space<semaphore_mem>>
    %dma_wait3A_153 = tpu.memref_squeeze %dma_wait3A_152 : memref<1x!tpu.dma_semaphore, #tpu.memory_space<semaphore_mem>> -> memref<!tpu.dma_semaphore, #tpu.memory_space<semaphore_mem>>
    %dma_wait3A_154 = arith.constant 0 : i32
    %dma_wait3A_155 = tpu.memref_slice %arg5[%dma_wait3A_146, %dma_wait3A_154] : memref<4x256xi32, #tpu.memory_space<vmem>> -> memref<1x256xi32, #tpu.memory_space<vmem>>
    %dma_wait3A_156 = tpu.memref_squeeze %dma_wait3A_155 : memref<1x256xi32, #tpu.memory_space<vmem>> -> memref<256xi32, #tpu.memory_space<vmem>>
    %dma_wait3A_157 = tpu.memref_slice %arg2[%add3A_145] : memref<819200xi32, #tpu.memory_space<hbm>> -> memref<256xi32, #tpu.memory_space<hbm>>
    tpu.wait_dma2 semaphore(%dma_wait3A_153 : memref<!tpu.dma_semaphore, #tpu.memory_space<semaphore_mem>>) src(%dma_wait3A_157 : memref<256xi32, #tpu.memory_space<hbm>>) dst(%dma_wait3A_156 : memref<256xi32, #tpu.memory_space<vmem>>)
    %dma_start3A_158 = arith.constant 3 : i32
    %dma_start3A_159 = arith.constant 3 : i32
    %dma_start3A_160 = arith.constant 3 : i32
    %dma_start3A_161 = arith.constant 0 : i32
    %dma_start3A_162 = arith.constant 0 : i32
    %dma_start3A_163 = tpu.memref_slice %arg6[%dma_start3A_159, %dma_start3A_161, %dma_start3A_162] : memref<4x256x64xf32, #tpu.memory_space<vmem>> -> memref<1x256x64xf32, #tpu.memory_space<vmem>>
    %dma_start3A_164 = tpu.memref_squeeze %dma_start3A_163 : memref<1x256x64xf32, #tpu.memory_space<vmem>> -> memref<256x64xf32, #tpu.memory_space<vmem>>
    %dma_start3A_165 = arith.constant 0 : i32
    %dma_start3A_166 = tpu.memref_slice %arg5[%dma_start3A_158, %dma_start3A_165] : memref<4x256xi32, #tpu.memory_space<vmem>> -> memref<1x256xi32, #tpu.memory_space<vmem>>
    %dma_start3A_167 = tpu.memref_squeeze %dma_start3A_166 : memref<1x256xi32, #tpu.memory_space<vmem>> -> memref<256xi32, #tpu.memory_space<vmem>>
    %dma_start3A_168 = arith.constant 0 : i32
    %dma_start3A_169 = arith.constant 0 : i32
    %dma_start3A_170 = tpu.memref_slice %arg3[%dma_start3A_168, %dma_start3A_169] : memref<1000000x64xf32, #tpu.memory_space<hbm>> -> memref<1000000x64xf32, #tpu.memory_space<hbm>>
    %dma_start3A_171 = tpu.memref_slice %arg8[%dma_start3A_160] : memref<4x!tpu.dma_semaphore, #tpu.memory_space<semaphore_mem>> -> memref<1x!tpu.dma_semaphore, #tpu.memory_space<semaphore_mem>>
    %dma_start3A_172 = tpu.memref_squeeze %dma_start3A_171 : memref<1x!tpu.dma_semaphore, #tpu.memory_space<semaphore_mem>> -> memref<!tpu.dma_semaphore, #tpu.memory_space<semaphore_mem>>
    tpu.enqueue_indirect_dma source(%dma_start3A_170 : memref<1000000x64xf32, #tpu.memory_space<hbm>>) target(%dma_start3A_164 : memref<256x64xf32, #tpu.memory_space<vmem>>) offsets(%dma_start3A_167 : memref<256xi32, #tpu.memory_space<vmem>>) semaphore(%dma_start3A_172 : memref<!tpu.dma_semaphore, #tpu.memory_space<semaphore_mem>>)
    %scan3A = arith.constant 0 : i32
    %scan3A_173 = arith.constant 24 : i32
    %scan3A_174 = arith.addi %scan3A, %scan3A_173 : i32
    %scan3A_175 = arith.constant 1 : i32
    scf.for %scan3A_381 = %scan3A to %scan3A_174 step %scan3A_175  : i32 {
      %mul3A_382 = arith.constant 4 : i32
      %mul3A_383 = arith.muli %scan3A_381, %mul3A_382 : i32
      %add3A_384 = arith.constant 4 : i32
      %add3A_385 = arith.addi %add3A_384, %mul3A_383 : i32
      %dma_wait3A_386 = arith.constant 0 : i32
      %dma_wait3A_387 = arith.constant 0 : i32
      %dma_wait3A_388 = arith.constant 0 : i32
      %dma_wait3A_389 = arith.constant 0 : i32
      %dma_wait3A_390 = arith.constant 0 : i32
      %dma_wait3A_391 = tpu.memref_slice %arg6[%dma_wait3A_387, %dma_wait3A_389, %dma_wait3A_390] : memref<4x256x64xf32, #tpu.memory_space<vmem>> -> memref<1x256x64xf32, #tpu.memory_space<vmem>>
      %dma_wait3A_392 = tpu.memref_squeeze %dma_wait3A_391 : memref<1x256x64xf32, #tpu.memory_space<vmem>> -> memref<256x64xf32, #tpu.memory_space<vmem>>
      %dma_wait3A_393 = arith.constant 0 : i32
      %dma_wait3A_394 = tpu.memref_slice %arg5[%dma_wait3A_386, %dma_wait3A_393] : memref<4x256xi32, #tpu.memory_space<vmem>> -> memref<1x256xi32, #tpu.memory_space<vmem>>
      %dma_wait3A_395 = tpu.memref_squeeze %dma_wait3A_394 : memref<1x256xi32, #tpu.memory_space<vmem>> -> memref<256xi32, #tpu.memory_space<vmem>>
      %dma_wait3A_396 = arith.constant 0 : i32
      %dma_wait3A_397 = arith.constant 0 : i32
      %dma_wait3A_398 = tpu.memref_slice %arg3[%dma_wait3A_396, %dma_wait3A_397] : memref<1000000x64xf32, #tpu.memory_space<hbm>> -> memref<1000000x64xf32, #tpu.memory_space<hbm>>
      %dma_wait3A_399 = tpu.memref_slice %arg8[%dma_wait3A_388] : memref<4x!tpu.dma_semaphore, #tpu.memory_space<semaphore_mem>> -> memref<1x!tpu.dma_semaphore, #tpu.memory_space<semaphore_mem>>
      %dma_wait3A_400 = tpu.memref_squeeze %dma_wait3A_399 : memref<1x!tpu.dma_semaphore, #tpu.memory_space<semaphore_mem>> -> memref<!tpu.dma_semaphore, #tpu.memory_space<semaphore_mem>>
      tpu.wait_indirect_dma semaphore(%dma_wait3A_400 : memref<!tpu.dma_semaphore, #tpu.memory_space<semaphore_mem>>) src(%dma_wait3A_398 : memref<1000000x64xf32, #tpu.memory_space<hbm>>) dst(%dma_wait3A_392 : memref<256x64xf32, #tpu.memory_space<vmem>>)
      %add3A_401 = arith.constant 0 : i32
      %add3A_402 = arith.addi %add3A_385, %add3A_401 : i32
      %mul3A_403 = arith.constant 256 : i32
      %mul3A_404 = arith.muli %add3A_402, %mul3A_403 : i32
      %add3A_405 = arith.addi %mul3A_2, %mul3A_404 : i32
      %dma_start3A_406 = arith.constant 0 : i32
      %dma_start3A_407 = arith.constant 0 : i32
      %dma_start3A_408 = arith.constant 0 : i32
      %dma_start3A_409 = tpu.memref_slice %arg5[%dma_start3A_406, %dma_start3A_408] : memref<4x256xi32, #tpu.memory_space<vmem>> -> memref<1x256xi32, #tpu.memory_space<vmem>>
      %dma_start3A_410 = tpu.memref_squeeze %dma_start3A_409 : memref<1x256xi32, #tpu.memory_space<vmem>> -> memref<256xi32, #tpu.memory_space<vmem>>
      %dma_start3A_411 = tpu.memref_slice %arg2[%add3A_405] : memref<819200xi32, #tpu.memory_space<hbm>> -> memref<256xi32, #tpu.memory_space<hbm>>
      %dma_start3A_412 = tpu.memref_slice %arg7[%dma_start3A_407] : memref<4x!tpu.dma_semaphore, #tpu.memory_space<semaphore_mem>> -> memref<1x!tpu.dma_semaphore, #tpu.memory_space<semaphore_mem>>
      %dma_start3A_413 = tpu.memref_squeeze %dma_start3A_412 : memref<1x!tpu.dma_semaphore, #tpu.memory_space<semaphore_mem>> -> memref<!tpu.dma_semaphore, #tpu.memory_space<semaphore_mem>>
      %dma_start3A_414 = arith.constant 0 : i32
      %dma_start3A_415 = tpu.memref_slice %arg5[%dma_start3A_406, %dma_start3A_414] : memref<4x256xi32, #tpu.memory_space<vmem>> -> memref<1x256xi32, #tpu.memory_space<vmem>>
      %dma_start3A_416 = tpu.memref_squeeze %dma_start3A_415 : memref<1x256xi32, #tpu.memory_space<vmem>> -> memref<256xi32, #tpu.memory_space<vmem>>
      %dma_start3A_417 = tpu.memref_slice %arg2[%add3A_405] : memref<819200xi32, #tpu.memory_space<hbm>> -> memref<256xi32, #tpu.memory_space<hbm>>
      tpu.enqueue_dma source(%dma_start3A_417 : memref<256xi32, #tpu.memory_space<hbm>>) target(%dma_start3A_416 : memref<256xi32, #tpu.memory_space<vmem>>) target_semaphore(%dma_start3A_413 : memref<!tpu.dma_semaphore, #tpu.memory_space<semaphore_mem>>)
      %sub3A = arith.constant 4 : i32
      %sub3A_418 = arith.subi %add3A_385, %sub3A : i32
      %add3A_419 = arith.constant 0 : i32
      %add3A_420 = arith.addi %sub3A_418, %add3A_419 : i32
      %mul3A_421 = arith.constant 256 : i32
      %mul3A_422 = arith.muli %add3A_420, %mul3A_421 : i32
      %add3A_423 = arith.addi %mul3A_2, %mul3A_422 : i32
      %dma_start3A_424 = arith.constant 0 : i32
      %dma_start3A_425 = arith.constant 0 : i32
      %dma_start3A_426 = arith.constant 0 : i32
      %dma_start3A_427 = arith.constant 0 : i32
      %dma_start3A_428 = tpu.memref_slice %arg6[%dma_start3A_424, %dma_start3A_426, %dma_start3A_427] : memref<4x256x64xf32, #tpu.memory_space<vmem>> -> memref<1x256x64xf32, #tpu.memory_space<vmem>>
      %dma_start3A_429 = tpu.memref_squeeze %dma_start3A_428 : memref<1x256x64xf32, #tpu.memory_space<vmem>> -> memref<256x64xf32, #tpu.memory_space<vmem>>
      %dma_start3A_430 = arith.constant 0 : i32
      %dma_start3A_431 = tpu.memref_slice %arg4[%add3A_423, %dma_start3A_430] : memref<819200x128xf32, #tpu.memory_space<hbm>> -> memref<256x64xf32, #tpu.memory_space<hbm>>
      %dma_start3A_432 = tpu.memref_slice %arg9[%dma_start3A_425] : memref<4x!tpu.dma_semaphore, #tpu.memory_space<semaphore_mem>> -> memref<1x!tpu.dma_semaphore, #tpu.memory_space<semaphore_mem>>
      %dma_start3A_433 = tpu.memref_squeeze %dma_start3A_432 : memref<1x!tpu.dma_semaphore, #tpu.memory_space<semaphore_mem>> -> memref<!tpu.dma_semaphore, #tpu.memory_space<semaphore_mem>>
      %dma_start3A_434 = arith.constant 0 : i32
      %dma_start3A_435 = tpu.memref_slice %arg4[%add3A_423, %dma_start3A_434] : memref<819200x128xf32, #tpu.memory_space<hbm>> -> memref<256x64xf32, #tpu.memory_space<hbm>>
      %dma_start3A_436 = arith.constant 0 : i32
      %dma_start3A_437 = arith.constant 0 : i32
      %dma_start3A_438 = tpu.memref_slice %arg6[%dma_start3A_424, %dma_start3A_436, %dma_start3A_437] : memref<4x256x64xf32, #tpu.memory_space<vmem>> -> memref<1x256x64xf32, #tpu.memory_space<vmem>>
      %dma_start3A_439 = tpu.memref_squeeze %dma_start3A_438 : memref<1x256x64xf32, #tpu.memory_space<vmem>> -> memref<256x64xf32, #tpu.memory_space<vmem>>
      tpu.enqueue_dma source(%dma_start3A_439 : memref<256x64xf32, #tpu.memory_space<vmem>>) target(%dma_start3A_435 : memref<256x64xf32, #tpu.memory_space<hbm>>) target_semaphore(%dma_start3A_433 : memref<!tpu.dma_semaphore, #tpu.memory_space<semaphore_mem>>)
      %dma_wait3A_440 = arith.constant 1 : i32
      %dma_wait3A_441 = arith.constant 1 : i32
      %dma_wait3A_442 = arith.constant 1 : i32
      %dma_wait3A_443 = arith.constant 0 : i32
      %dma_wait3A_444 = arith.constant 0 : i32
      %dma_wait3A_445 = tpu.memref_slice %arg6[%dma_wait3A_441, %dma_wait3A_443, %dma_wait3A_444] : memref<4x256x64xf32, #tpu.memory_space<vmem>> -> memref<1x256x64xf32, #tpu.memory_space<vmem>>
      %dma_wait3A_446 = tpu.memref_squeeze %dma_wait3A_445 : memref<1x256x64xf32, #tpu.memory_space<vmem>> -> memref<256x64xf32, #tpu.memory_space<vmem>>
      %dma_wait3A_447 = arith.constant 0 : i32
      %dma_wait3A_448 = tpu.memref_slice %arg5[%dma_wait3A_440, %dma_wait3A_447] : memref<4x256xi32, #tpu.memory_space<vmem>> -> memref<1x256xi32, #tpu.memory_space<vmem>>
      %dma_wait3A_449 = tpu.memref_squeeze %dma_wait3A_448 : memref<1x256xi32, #tpu.memory_space<vmem>> -> memref<256xi32, #tpu.memory_space<vmem>>
      %dma_wait3A_450 = arith.constant 0 : i32
      %dma_wait3A_451 = arith.constant 0 : i32
      %dma_wait3A_452 = tpu.memref_slice %arg3[%dma_wait3A_450, %dma_wait3A_451] : memref<1000000x64xf32, #tpu.memory_space<hbm>> -> memref<1000000x64xf32, #tpu.memory_space<hbm>>
      %dma_wait3A_453 = tpu.memref_slice %arg8[%dma_wait3A_442] : memref<4x!tpu.dma_semaphore, #tpu.memory_space<semaphore_mem>> -> memref<1x!tpu.dma_semaphore, #tpu.memory_space<semaphore_mem>>
      %dma_wait3A_454 = tpu.memref_squeeze %dma_wait3A_453 : memref<1x!tpu.dma_semaphore, #tpu.memory_space<semaphore_mem>> -> memref<!tpu.dma_semaphore, #tpu.memory_space<semaphore_mem>>
      tpu.wait_indirect_dma semaphore(%dma_wait3A_454 : memref<!tpu.dma_semaphore, #tpu.memory_space<semaphore_mem>>) src(%dma_wait3A_452 : memref<1000000x64xf32, #tpu.memory_space<hbm>>) dst(%dma_wait3A_446 : memref<256x64xf32, #tpu.memory_space<vmem>>)
      %add3A_455 = arith.constant 1 : i32
      %add3A_456 = arith.addi %add3A_385, %add3A_455 : i32
      %mul3A_457 = arith.constant 256 : i32
      %mul3A_458 = arith.muli %add3A_456, %mul3A_457 : i32
      %add3A_459 = arith.addi %mul3A_2, %mul3A_458 : i32
      %dma_start3A_460 = arith.constant 1 : i32
      %dma_start3A_461 = arith.constant 1 : i32
      %dma_start3A_462 = arith.constant 0 : i32
      %dma_start3A_463 = tpu.memref_slice %arg5[%dma_start3A_460, %dma_start3A_462] : memref<4x256xi32, #tpu.memory_space<vmem>> -> memref<1x256xi32, #tpu.memory_space<vmem>>
      %dma_start3A_464 = tpu.memref_squeeze %dma_start3A_463 : memref<1x256xi32, #tpu.memory_space<vmem>> -> memref<256xi32, #tpu.memory_space<vmem>>
      %dma_start3A_465 = tpu.memref_slice %arg2[%add3A_459] : memref<819200xi32, #tpu.memory_space<hbm>> -> memref<256xi32, #tpu.memory_space<hbm>>
      %dma_start3A_466 = tpu.memref_slice %arg7[%dma_start3A_461] : memref<4x!tpu.dma_semaphore, #tpu.memory_space<semaphore_mem>> -> memref<1x!tpu.dma_semaphore, #tpu.memory_space<semaphore_mem>>
      %dma_start3A_467 = tpu.memref_squeeze %dma_start3A_466 : memref<1x!tpu.dma_semaphore, #tpu.memory_space<semaphore_mem>> -> memref<!tpu.dma_semaphore, #tpu.memory_space<semaphore_mem>>
      %dma_start3A_468 = arith.constant 0 : i32
      %dma_start3A_469 = tpu.memref_slice %arg5[%dma_start3A_460, %dma_start3A_468] : memref<4x256xi32, #tpu.memory_space<vmem>> -> memref<1x256xi32, #tpu.memory_space<vmem>>
      %dma_start3A_470 = tpu.memref_squeeze %dma_start3A_469 : memref<1x256xi32, #tpu.memory_space<vmem>> -> memref<256xi32, #tpu.memory_space<vmem>>
      %dma_start3A_471 = tpu.memref_slice %arg2[%add3A_459] : memref<819200xi32, #tpu.memory_space<hbm>> -> memref<256xi32, #tpu.memory_space<hbm>>
      tpu.enqueue_dma source(%dma_start3A_471 : memref<256xi32, #tpu.memory_space<hbm>>) target(%dma_start3A_470 : memref<256xi32, #tpu.memory_space<vmem>>) target_semaphore(%dma_start3A_467 : memref<!tpu.dma_semaphore, #tpu.memory_space<semaphore_mem>>)
      %sub3A_472 = arith.constant 4 : i32
      %sub3A_473 = arith.subi %add3A_385, %sub3A_472 : i32
      %add3A_474 = arith.constant 1 : i32
      %add3A_475 = arith.addi %sub3A_473, %add3A_474 : i32
      %mul3A_476 = arith.constant 256 : i32
      %mul3A_477 = arith.muli %add3A_475, %mul3A_476 : i32
      %add3A_478 = arith.addi %mul3A_2, %mul3A_477 : i32
      %dma_start3A_479 = arith.constant 1 : i32
      %dma_start3A_480 = arith.constant 1 : i32
      %dma_start3A_481 = arith.constant 0 : i32
      %dma_start3A_482 = arith.constant 0 : i32
      %dma_start3A_483 = tpu.memref_slice %arg6[%dma_start3A_479, %dma_start3A_481, %dma_start3A_482] : memref<4x256x64xf32, #tpu.memory_space<vmem>> -> memref<1x256x64xf32, #tpu.memory_space<vmem>>
      %dma_start3A_484 = tpu.memref_squeeze %dma_start3A_483 : memref<1x256x64xf32, #tpu.memory_space<vmem>> -> memref<256x64xf32, #tpu.memory_space<vmem>>
      %dma_start3A_485 = arith.constant 0 : i32
      %dma_start3A_486 = tpu.memref_slice %arg4[%add3A_478, %dma_start3A_485] : memref<819200x128xf32, #tpu.memory_space<hbm>> -> memref<256x64xf32, #tpu.memory_space<hbm>>
      %dma_start3A_487 = tpu.memref_slice %arg9[%dma_start3A_480] : memref<4x!tpu.dma_semaphore, #tpu.memory_space<semaphore_mem>> -> memref<1x!tpu.dma_semaphore, #tpu.memory_space<semaphore_mem>>
      %dma_start3A_488 = tpu.memref_squeeze %dma_start3A_487 : memref<1x!tpu.dma_semaphore, #tpu.memory_space<semaphore_mem>> -> memref<!tpu.dma_semaphore, #tpu.memory_space<semaphore_mem>>
      %dma_start3A_489 = arith.constant 0 : i32
      %dma_start3A_490 = tpu.memref_slice %arg4[%add3A_478, %dma_start3A_489] : memref<819200x128xf32, #tpu.memory_space<hbm>> -> memref<256x64xf32, #tpu.memory_space<hbm>>
      %dma_start3A_491 = arith.constant 0 : i32
      %dma_start3A_492 = arith.constant 0 : i32
      %dma_start3A_493 = tpu.memref_slice %arg6[%dma_start3A_479, %dma_start3A_491, %dma_start3A_492] : memref<4x256x64xf32, #tpu.memory_space<vmem>> -> memref<1x256x64xf32, #tpu.memory_space<vmem>>
      %dma_start3A_494 = tpu.memref_squeeze %dma_start3A_493 : memref<1x256x64xf32, #tpu.memory_space<vmem>> -> memref<256x64xf32, #tpu.memory_space<vmem>>
      tpu.enqueue_dma source(%dma_start3A_494 : memref<256x64xf32, #tpu.memory_space<vmem>>) target(%dma_start3A_490 : memref<256x64xf32, #tpu.memory_space<hbm>>) target_semaphore(%dma_start3A_488 : memref<!tpu.dma_semaphore, #tpu.memory_space<semaphore_mem>>)
      %dma_wait3A_495 = arith.constant 2 : i32
      %dma_wait3A_496 = arith.constant 2 : i32
      %dma_wait3A_497 = arith.constant 2 : i32
      %dma_wait3A_498 = arith.constant 0 : i32
      %dma_wait3A_499 = arith.constant 0 : i32
      %dma_wait3A_500 = tpu.memref_slice %arg6[%dma_wait3A_496, %dma_wait3A_498, %dma_wait3A_499] : memref<4x256x64xf32, #tpu.memory_space<vmem>> -> memref<1x256x64xf32, #tpu.memory_space<vmem>>
      %dma_wait3A_501 = tpu.memref_squeeze %dma_wait3A_500 : memref<1x256x64xf32, #tpu.memory_space<vmem>> -> memref<256x64xf32, #tpu.memory_space<vmem>>
      %dma_wait3A_502 = arith.constant 0 : i32
      %dma_wait3A_503 = tpu.memref_slice %arg5[%dma_wait3A_495, %dma_wait3A_502] : memref<4x256xi32, #tpu.memory_space<vmem>> -> memref<1x256xi32, #tpu.memory_space<vmem>>
      %dma_wait3A_504 = tpu.memref_squeeze %dma_wait3A_503 : memref<1x256xi32, #tpu.memory_space<vmem>> -> memref<256xi32, #tpu.memory_space<vmem>>
      %dma_wait3A_505 = arith.constant 0 : i32
      %dma_wait3A_506 = arith.constant 0 : i32
      %dma_wait3A_507 = tpu.memref_slice %arg3[%dma_wait3A_505, %dma_wait3A_506] : memref<1000000x64xf32, #tpu.memory_space<hbm>> -> memref<1000000x64xf32, #tpu.memory_space<hbm>>
      %dma_wait3A_508 = tpu.memref_slice %arg8[%dma_wait3A_497] : memref<4x!tpu.dma_semaphore, #tpu.memory_space<semaphore_mem>> -> memref<1x!tpu.dma_semaphore, #tpu.memory_space<semaphore_mem>>
      %dma_wait3A_509 = tpu.memref_squeeze %dma_wait3A_508 : memref<1x!tpu.dma_semaphore, #tpu.memory_space<semaphore_mem>> -> memref<!tpu.dma_semaphore, #tpu.memory_space<semaphore_mem>>
      tpu.wait_indirect_dma semaphore(%dma_wait3A_509 : memref<!tpu.dma_semaphore, #tpu.memory_space<semaphore_mem>>) src(%dma_wait3A_507 : memref<1000000x64xf32, #tpu.memory_space<hbm>>) dst(%dma_wait3A_501 : memref<256x64xf32, #tpu.memory_space<vmem>>)
      %add3A_510 = arith.constant 2 : i32
      %add3A_511 = arith.addi %add3A_385, %add3A_510 : i32
      %mul3A_512 = arith.constant 256 : i32
      %mul3A_513 = arith.muli %add3A_511, %mul3A_512 : i32
      %add3A_514 = arith.addi %mul3A_2, %mul3A_513 : i32
      %dma_start3A_515 = arith.constant 2 : i32
      %dma_start3A_516 = arith.constant 2 : i32
      %dma_start3A_517 = arith.constant 0 : i32
      %dma_start3A_518 = tpu.memref_slice %arg5[%dma_start3A_515, %dma_start3A_517] : memref<4x256xi32, #tpu.memory_space<vmem>> -> memref<1x256xi32, #tpu.memory_space<vmem>>
      %dma_start3A_519 = tpu.memref_squeeze %dma_start3A_518 : memref<1x256xi32, #tpu.memory_space<vmem>> -> memref<256xi32, #tpu.memory_space<vmem>>
      %dma_start3A_520 = tpu.memref_slice %arg2[%add3A_514] : memref<819200xi32, #tpu.memory_space<hbm>> -> memref<256xi32, #tpu.memory_space<hbm>>
      %dma_start3A_521 = tpu.memref_slice %arg7[%dma_start3A_516] : memref<4x!tpu.dma_semaphore, #tpu.memory_space<semaphore_mem>> -> memref<1x!tpu.dma_semaphore, #tpu.memory_space<semaphore_mem>>
      %dma_start3A_522 = tpu.memref_squeeze %dma_start3A_521 : memref<1x!tpu.dma_semaphore, #tpu.memory_space<semaphore_mem>> -> memref<!tpu.dma_semaphore, #tpu.memory_space<semaphore_mem>>
      %dma_start3A_523 = arith.constant 0 : i32
      %dma_start3A_524 = tpu.memref_slice %arg5[%dma_start3A_515, %dma_start3A_523] : memref<4x256xi32, #tpu.memory_space<vmem>> -> memref<1x256xi32, #tpu.memory_space<vmem>>
      %dma_start3A_525 = tpu.memref_squeeze %dma_start3A_524 : memref<1x256xi32, #tpu.memory_space<vmem>> -> memref<256xi32, #tpu.memory_space<vmem>>
      %dma_start3A_526 = tpu.memref_slice %arg2[%add3A_514] : memref<819200xi32, #tpu.memory_space<hbm>> -> memref<256xi32, #tpu.memory_space<hbm>>
      tpu.enqueue_dma source(%dma_start3A_526 : memref<256xi32, #tpu.memory_space<hbm>>) target(%dma_start3A_525 : memref<256xi32, #tpu.memory_space<vmem>>) target_semaphore(%dma_start3A_522 : memref<!tpu.dma_semaphore, #tpu.memory_space<semaphore_mem>>)
      %sub3A_527 = arith.constant 4 : i32
      %sub3A_528 = arith.subi %add3A_385, %sub3A_527 : i32
      %add3A_529 = arith.constant 2 : i32
      %add3A_530 = arith.addi %sub3A_528, %add3A_529 : i32
      %mul3A_531 = arith.constant 256 : i32
      %mul3A_532 = arith.muli %add3A_530, %mul3A_531 : i32
      %add3A_533 = arith.addi %mul3A_2, %mul3A_532 : i32
      %dma_start3A_534 = arith.constant 2 : i32
      %dma_start3A_535 = arith.constant 2 : i32
      %dma_start3A_536 = arith.constant 0 : i32
      %dma_start3A_537 = arith.constant 0 : i32
      %dma_start3A_538 = tpu.memref_slice %arg6[%dma_start3A_534, %dma_start3A_536, %dma_start3A_537] : memref<4x256x64xf32, #tpu.memory_space<vmem>> -> memref<1x256x64xf32, #tpu.memory_space<vmem>>
      %dma_start3A_539 = tpu.memref_squeeze %dma_start3A_538 : memref<1x256x64xf32, #tpu.memory_space<vmem>> -> memref<256x64xf32, #tpu.memory_space<vmem>>
      %dma_start3A_540 = arith.constant 0 : i32
      %dma_start3A_541 = tpu.memref_slice %arg4[%add3A_533, %dma_start3A_540] : memref<819200x128xf32, #tpu.memory_space<hbm>> -> memref<256x64xf32, #tpu.memory_space<hbm>>
      %dma_start3A_542 = tpu.memref_slice %arg9[%dma_start3A_535] : memref<4x!tpu.dma_semaphore, #tpu.memory_space<semaphore_mem>> -> memref<1x!tpu.dma_semaphore, #tpu.memory_space<semaphore_mem>>
      %dma_start3A_543 = tpu.memref_squeeze %dma_start3A_542 : memref<1x!tpu.dma_semaphore, #tpu.memory_space<semaphore_mem>> -> memref<!tpu.dma_semaphore, #tpu.memory_space<semaphore_mem>>
      %dma_start3A_544 = arith.constant 0 : i32
      %dma_start3A_545 = tpu.memref_slice %arg4[%add3A_533, %dma_start3A_544] : memref<819200x128xf32, #tpu.memory_space<hbm>> -> memref<256x64xf32, #tpu.memory_space<hbm>>
      %dma_start3A_546 = arith.constant 0 : i32
      %dma_start3A_547 = arith.constant 0 : i32
      %dma_start3A_548 = tpu.memref_slice %arg6[%dma_start3A_534, %dma_start3A_546, %dma_start3A_547] : memref<4x256x64xf32, #tpu.memory_space<vmem>> -> memref<1x256x64xf32, #tpu.memory_space<vmem>>
      %dma_start3A_549 = tpu.memref_squeeze %dma_start3A_548 : memref<1x256x64xf32, #tpu.memory_space<vmem>> -> memref<256x64xf32, #tpu.memory_space<vmem>>
      tpu.enqueue_dma source(%dma_start3A_549 : memref<256x64xf32, #tpu.memory_space<vmem>>) target(%dma_start3A_545 : memref<256x64xf32, #tpu.memory_space<hbm>>) target_semaphore(%dma_start3A_543 : memref<!tpu.dma_semaphore, #tpu.memory_space<semaphore_mem>>)
      %dma_wait3A_550 = arith.constant 3 : i32
      %dma_wait3A_551 = arith.constant 3 : i32
      %dma_wait3A_552 = arith.constant 3 : i32
      %dma_wait3A_553 = arith.constant 0 : i32
      %dma_wait3A_554 = arith.constant 0 : i32
      %dma_wait3A_555 = tpu.memref_slice %arg6[%dma_wait3A_551, %dma_wait3A_553, %dma_wait3A_554] : memref<4x256x64xf32, #tpu.memory_space<vmem>> -> memref<1x256x64xf32, #tpu.memory_space<vmem>>
      %dma_wait3A_556 = tpu.memref_squeeze %dma_wait3A_555 : memref<1x256x64xf32, #tpu.memory_space<vmem>> -> memref<256x64xf32, #tpu.memory_space<vmem>>
      %dma_wait3A_557 = arith.constant 0 : i32
      %dma_wait3A_558 = tpu.memref_slice %arg5[%dma_wait3A_550, %dma_wait3A_557] : memref<4x256xi32, #tpu.memory_space<vmem>> -> memref<1x256xi32, #tpu.memory_space<vmem>>
      %dma_wait3A_559 = tpu.memref_squeeze %dma_wait3A_558 : memref<1x256xi32, #tpu.memory_space<vmem>> -> memref<256xi32, #tpu.memory_space<vmem>>
      %dma_wait3A_560 = arith.constant 0 : i32
      %dma_wait3A_561 = arith.constant 0 : i32
      %dma_wait3A_562 = tpu.memref_slice %arg3[%dma_wait3A_560, %dma_wait3A_561] : memref<1000000x64xf32, #tpu.memory_space<hbm>> -> memref<1000000x64xf32, #tpu.memory_space<hbm>>
      %dma_wait3A_563 = tpu.memref_slice %arg8[%dma_wait3A_552] : memref<4x!tpu.dma_semaphore, #tpu.memory_space<semaphore_mem>> -> memref<1x!tpu.dma_semaphore, #tpu.memory_space<semaphore_mem>>
      %dma_wait3A_564 = tpu.memref_squeeze %dma_wait3A_563 : memref<1x!tpu.dma_semaphore, #tpu.memory_space<semaphore_mem>> -> memref<!tpu.dma_semaphore, #tpu.memory_space<semaphore_mem>>
      tpu.wait_indirect_dma semaphore(%dma_wait3A_564 : memref<!tpu.dma_semaphore, #tpu.memory_space<semaphore_mem>>) src(%dma_wait3A_562 : memref<1000000x64xf32, #tpu.memory_space<hbm>>) dst(%dma_wait3A_556 : memref<256x64xf32, #tpu.memory_space<vmem>>)
      %add3A_565 = arith.constant 3 : i32
      %add3A_566 = arith.addi %add3A_385, %add3A_565 : i32
      %mul3A_567 = arith.constant 256 : i32
      %mul3A_568 = arith.muli %add3A_566, %mul3A_567 : i32
      %add3A_569 = arith.addi %mul3A_2, %mul3A_568 : i32
      %dma_start3A_570 = arith.constant 3 : i32
      %dma_start3A_571 = arith.constant 3 : i32
      %dma_start3A_572 = arith.constant 0 : i32
      %dma_start3A_573 = tpu.memref_slice %arg5[%dma_start3A_570, %dma_start3A_572] : memref<4x256xi32, #tpu.memory_space<vmem>> -> memref<1x256xi32, #tpu.memory_space<vmem>>
      %dma_start3A_574 = tpu.memref_squeeze %dma_start3A_573 : memref<1x256xi32, #tpu.memory_space<vmem>> -> memref<256xi32, #tpu.memory_space<vmem>>
      %dma_start3A_575 = tpu.memref_slice %arg2[%add3A_569] : memref<819200xi32, #tpu.memory_space<hbm>> -> memref<256xi32, #tpu.memory_space<hbm>>
      %dma_start3A_576 = tpu.memref_slice %arg7[%dma_start3A_571] : memref<4x!tpu.dma_semaphore, #tpu.memory_space<semaphore_mem>> -> memref<1x!tpu.dma_semaphore, #tpu.memory_space<semaphore_mem>>
      %dma_start3A_577 = tpu.memref_squeeze %dma_start3A_576 : memref<1x!tpu.dma_semaphore, #tpu.memory_space<semaphore_mem>> -> memref<!tpu.dma_semaphore, #tpu.memory_space<semaphore_mem>>
      %dma_start3A_578 = arith.constant 0 : i32
      %dma_start3A_579 = tpu.memref_slice %arg5[%dma_start3A_570, %dma_start3A_578] : memref<4x256xi32, #tpu.memory_space<vmem>> -> memref<1x256xi32, #tpu.memory_space<vmem>>
      %dma_start3A_580 = tpu.memref_squeeze %dma_start3A_579 : memref<1x256xi32, #tpu.memory_space<vmem>> -> memref<256xi32, #tpu.memory_space<vmem>>
      %dma_start3A_581 = tpu.memref_slice %arg2[%add3A_569] : memref<819200xi32, #tpu.memory_space<hbm>> -> memref<256xi32, #tpu.memory_space<hbm>>
      tpu.enqueue_dma source(%dma_start3A_581 : memref<256xi32, #tpu.memory_space<hbm>>) target(%dma_start3A_580 : memref<256xi32, #tpu.memory_space<vmem>>) target_semaphore(%dma_start3A_577 : memref<!tpu.dma_semaphore, #tpu.memory_space<semaphore_mem>>)
      %sub3A_582 = arith.constant 4 : i32
      %sub3A_583 = arith.subi %add3A_385, %sub3A_582 : i32
      %add3A_584 = arith.constant 3 : i32
      %add3A_585 = arith.addi %sub3A_583, %add3A_584 : i32
      %mul3A_586 = arith.constant 256 : i32
      %mul3A_587 = arith.muli %add3A_585, %mul3A_586 : i32
      %add3A_588 = arith.addi %mul3A_2, %mul3A_587 : i32
      %dma_start3A_589 = arith.constant 3 : i32
      %dma_start3A_590 = arith.constant 3 : i32
      %dma_start3A_591 = arith.constant 0 : i32
      %dma_start3A_592 = arith.constant 0 : i32
      %dma_start3A_593 = tpu.memref_slice %arg6[%dma_start3A_589, %dma_start3A_591, %dma_start3A_592] : memref<4x256x64xf32, #tpu.memory_space<vmem>> -> memref<1x256x64xf32, #tpu.memory_space<vmem>>
      %dma_start3A_594 = tpu.memref_squeeze %dma_start3A_593 : memref<1x256x64xf32, #tpu.memory_space<vmem>> -> memref<256x64xf32, #tpu.memory_space<vmem>>
      %dma_start3A_595 = arith.constant 0 : i32
      %dma_start3A_596 = tpu.memref_slice %arg4[%add3A_588, %dma_start3A_595] : memref<819200x128xf32, #tpu.memory_space<hbm>> -> memref<256x64xf32, #tpu.memory_space<hbm>>
      %dma_start3A_597 = tpu.memref_slice %arg9[%dma_start3A_590] : memref<4x!tpu.dma_semaphore, #tpu.memory_space<semaphore_mem>> -> memref<1x!tpu.dma_semaphore, #tpu.memory_space<semaphore_mem>>
      %dma_start3A_598 = tpu.memref_squeeze %dma_start3A_597 : memref<1x!tpu.dma_semaphore, #tpu.memory_space<semaphore_mem>> -> memref<!tpu.dma_semaphore, #tpu.memory_space<semaphore_mem>>
      %dma_start3A_599 = arith.constant 0 : i32
      %dma_start3A_600 = tpu.memref_slice %arg4[%add3A_588, %dma_start3A_599] : memref<819200x128xf32, #tpu.memory_space<hbm>> -> memref<256x64xf32, #tpu.memory_space<hbm>>
      %dma_start3A_601 = arith.constant 0 : i32
      %dma_start3A_602 = arith.constant 0 : i32
      %dma_start3A_603 = tpu.memref_slice %arg6[%dma_start3A_589, %dma_start3A_601, %dma_start3A_602] : memref<4x256x64xf32, #tpu.memory_space<vmem>> -> memref<1x256x64xf32, #tpu.memory_space<vmem>>
      %dma_start3A_604 = tpu.memref_squeeze %dma_start3A_603 : memref<1x256x64xf32, #tpu.memory_space<vmem>> -> memref<256x64xf32, #tpu.memory_space<vmem>>
      tpu.enqueue_dma source(%dma_start3A_604 : memref<256x64xf32, #tpu.memory_space<vmem>>) target(%dma_start3A_600 : memref<256x64xf32, #tpu.memory_space<hbm>>) target_semaphore(%dma_start3A_598 : memref<!tpu.dma_semaphore, #tpu.memory_space<semaphore_mem>>)
      %sub3A_605 = arith.constant 4 : i32
      %sub3A_606 = arith.subi %add3A_385, %sub3A_605 : i32
      %add3A_607 = arith.constant 0 : i32
      %add3A_608 = arith.addi %sub3A_606, %add3A_607 : i32
      %mul3A_609 = arith.constant 256 : i32
      %mul3A_610 = arith.muli %add3A_608, %mul3A_609 : i32
      %add3A_611 = arith.addi %mul3A_2, %mul3A_610 : i32
      %dma_wait3A_612 = arith.constant 0 : i32
      %dma_wait3A_613 = arith.constant 0 : i32
      %dma_wait3A_614 = arith.constant 0 : i32
      %dma_wait3A_615 = arith.constant 0 : i32
      %dma_wait3A_616 = tpu.memref_slice %arg6[%dma_wait3A_612, %dma_wait3A_614, %dma_wait3A_615] : memref<4x256x64xf32, #tpu.memory_space<vmem>> -> memref<1x256x64xf32, #tpu.memory_space<vmem>>
      %dma_wait3A_617 = tpu.memref_squeeze %dma_wait3A_616 : memref<1x256x64xf32, #tpu.memory_space<vmem>> -> memref<256x64xf32, #tpu.memory_space<vmem>>
      %dma_wait3A_618 = arith.constant 0 : i32
      %dma_wait3A_619 = tpu.memref_slice %arg4[%add3A_611, %dma_wait3A_618] : memref<819200x128xf32, #tpu.memory_space<hbm>> -> memref<256x64xf32, #tpu.memory_space<hbm>>
      %dma_wait3A_620 = tpu.memref_slice %arg9[%dma_wait3A_613] : memref<4x!tpu.dma_semaphore, #tpu.memory_space<semaphore_mem>> -> memref<1x!tpu.dma_semaphore, #tpu.memory_space<semaphore_mem>>
      %dma_wait3A_621 = tpu.memref_squeeze %dma_wait3A_620 : memref<1x!tpu.dma_semaphore, #tpu.memory_space<semaphore_mem>> -> memref<!tpu.dma_semaphore, #tpu.memory_space<semaphore_mem>>
      %dma_wait3A_622 = arith.constant 0 : i32
      %dma_wait3A_623 = tpu.memref_slice %arg4[%add3A_611, %dma_wait3A_622] : memref<819200x128xf32, #tpu.memory_space<hbm>> -> memref<256x64xf32, #tpu.memory_space<hbm>>
      %dma_wait3A_624 = arith.constant 0 : i32
      %dma_wait3A_625 = arith.constant 0 : i32
      %dma_wait3A_626 = tpu.memref_slice %arg6[%dma_wait3A_612, %dma_wait3A_624, %dma_wait3A_625] : memref<4x256x64xf32, #tpu.memory_space<vmem>> -> memref<1x256x64xf32, #tpu.memory_space<vmem>>
      %dma_wait3A_627 = tpu.memref_squeeze %dma_wait3A_626 : memref<1x256x64xf32, #tpu.memory_space<vmem>> -> memref<256x64xf32, #tpu.memory_space<vmem>>
      tpu.wait_dma2 semaphore(%dma_wait3A_621 : memref<!tpu.dma_semaphore, #tpu.memory_space<semaphore_mem>>) src(%dma_wait3A_627 : memref<256x64xf32, #tpu.memory_space<vmem>>) dst(%dma_wait3A_623 : memref<256x64xf32, #tpu.memory_space<hbm>>)
      %add3A_628 = arith.constant 0 : i32
      %add3A_629 = arith.addi %add3A_385, %add3A_628 : i32
      %mul3A_630 = arith.constant 256 : i32
      %mul3A_631 = arith.muli %add3A_629, %mul3A_630 : i32
      %add3A_632 = arith.addi %mul3A_2, %mul3A_631 : i32
      %dma_wait3A_633 = arith.constant 0 : i32
      %dma_wait3A_634 = arith.constant 0 : i32
      %dma_wait3A_635 = arith.constant 0 : i32
      %dma_wait3A_636 = tpu.memref_slice %arg5[%dma_wait3A_633, %dma_wait3A_635] : memref<4x256xi32, #tpu.memory_space<vmem>> -> memref<1x256xi32, #tpu.memory_space<vmem>>
      %dma_wait3A_637 = tpu.memref_squeeze %dma_wait3A_636 : memref<1x256xi32, #tpu.memory_space<vmem>> -> memref<256xi32, #tpu.memory_space<vmem>>
      %dma_wait3A_638 = tpu.memref_slice %arg2[%add3A_632] : memref<819200xi32, #tpu.memory_space<hbm>> -> memref<256xi32, #tpu.memory_space<hbm>>
      %dma_wait3A_639 = tpu.memref_slice %arg7[%dma_wait3A_634] : memref<4x!tpu.dma_semaphore, #tpu.memory_space<semaphore_mem>> -> memref<1x!tpu.dma_semaphore, #tpu.memory_space<semaphore_mem>>
      %dma_wait3A_640 = tpu.memref_squeeze %dma_wait3A_639 : memref<1x!tpu.dma_semaphore, #tpu.memory_space<semaphore_mem>> -> memref<!tpu.dma_semaphore, #tpu.memory_space<semaphore_mem>>
      %dma_wait3A_641 = arith.constant 0 : i32
      %dma_wait3A_642 = tpu.memref_slice %arg5[%dma_wait3A_633, %dma_wait3A_641] : memref<4x256xi32, #tpu.memory_space<vmem>> -> memref<1x256xi32, #tpu.memory_space<vmem>>
      %dma_wait3A_643 = tpu.memref_squeeze %dma_wait3A_642 : memref<1x256xi32, #tpu.memory_space<vmem>> -> memref<256xi32, #tpu.memory_space<vmem>>
      %dma_wait3A_644 = tpu.memref_slice %arg2[%add3A_632] : memref<819200xi32, #tpu.memory_space<hbm>> -> memref<256xi32, #tpu.memory_space<hbm>>
      tpu.wait_dma2 semaphore(%dma_wait3A_640 : memref<!tpu.dma_semaphore, #tpu.memory_space<semaphore_mem>>) src(%dma_wait3A_644 : memref<256xi32, #tpu.memory_space<hbm>>) dst(%dma_wait3A_643 : memref<256xi32, #tpu.memory_space<vmem>>)
      %dma_start3A_645 = arith.constant 0 : i32
      %dma_start3A_646 = arith.constant 0 : i32
      %dma_start3A_647 = arith.constant 0 : i32
      %dma_start3A_648 = arith.constant 0 : i32
      %dma_start3A_649 = arith.constant 0 : i32
      %dma_start3A_650 = tpu.memref_slice %arg6[%dma_start3A_646, %dma_start3A_648, %dma_start3A_649] : memref<4x256x64xf32, #tpu.memory_space<vmem>> -> memref<1x256x64xf32, #tpu.memory_space<vmem>>
      %dma_start3A_651 = tpu.memref_squeeze %dma_start3A_650 : memref<1x256x64xf32, #tpu.memory_space<vmem>> -> memref<256x64xf32, #tpu.memory_space<vmem>>
      %dma_start3A_652 = arith.constant 0 : i32
      %dma_start3A_653 = tpu.memref_slice %arg5[%dma_start3A_645, %dma_start3A_652] : memref<4x256xi32, #tpu.memory_space<vmem>> -> memref<1x256xi32, #tpu.memory_space<vmem>>
      %dma_start3A_654 = tpu.memref_squeeze %dma_start3A_653 : memref<1x256xi32, #tpu.memory_space<vmem>> -> memref<256xi32, #tpu.memory_space<vmem>>
      %dma_start3A_655 = arith.constant 0 : i32
      %dma_start3A_656 = arith.constant 0 : i32
      %dma_start3A_657 = tpu.memref_slice %arg3[%dma_start3A_655, %dma_start3A_656] : memref<1000000x64xf32, #tpu.memory_space<hbm>> -> memref<1000000x64xf32, #tpu.memory_space<hbm>>
      %dma_start3A_658 = tpu.memref_slice %arg8[%dma_start3A_647] : memref<4x!tpu.dma_semaphore, #tpu.memory_space<semaphore_mem>> -> memref<1x!tpu.dma_semaphore, #tpu.memory_space<semaphore_mem>>
      %dma_start3A_659 = tpu.memref_squeeze %dma_start3A_658 : memref<1x!tpu.dma_semaphore, #tpu.memory_space<semaphore_mem>> -> memref<!tpu.dma_semaphore, #tpu.memory_space<semaphore_mem>>
      tpu.enqueue_indirect_dma source(%dma_start3A_657 : memref<1000000x64xf32, #tpu.memory_space<hbm>>) target(%dma_start3A_651 : memref<256x64xf32, #tpu.memory_space<vmem>>) offsets(%dma_start3A_654 : memref<256xi32, #tpu.memory_space<vmem>>) semaphore(%dma_start3A_659 : memref<!tpu.dma_semaphore, #tpu.memory_space<semaphore_mem>>)
      %sub3A_660 = arith.constant 4 : i32
      %sub3A_661 = arith.subi %add3A_385, %sub3A_660 : i32
      %add3A_662 = arith.constant 1 : i32
      %add3A_663 = arith.addi %sub3A_661, %add3A_662 : i32
      %mul3A_664 = arith.constant 256 : i32
      %mul3A_665 = arith.muli %add3A_663, %mul3A_664 : i32
      %add3A_666 = arith.addi %mul3A_2, %mul3A_665 : i32
      %dma_wait3A_667 = arith.constant 1 : i32
      %dma_wait3A_668 = arith.constant 1 : i32
      %dma_wait3A_669 = arith.constant 0 : i32
      %dma_wait3A_670 = arith.constant 0 : i32
      %dma_wait3A_671 = tpu.memref_slice %arg6[%dma_wait3A_667, %dma_wait3A_669, %dma_wait3A_670] : memref<4x256x64xf32, #tpu.memory_space<vmem>> -> memref<1x256x64xf32, #tpu.memory_space<vmem>>
      %dma_wait3A_672 = tpu.memref_squeeze %dma_wait3A_671 : memref<1x256x64xf32, #tpu.memory_space<vmem>> -> memref<256x64xf32, #tpu.memory_space<vmem>>
      %dma_wait3A_673 = arith.constant 0 : i32
      %dma_wait3A_674 = tpu.memref_slice %arg4[%add3A_666, %dma_wait3A_673] : memref<819200x128xf32, #tpu.memory_space<hbm>> -> memref<256x64xf32, #tpu.memory_space<hbm>>
      %dma_wait3A_675 = tpu.memref_slice %arg9[%dma_wait3A_668] : memref<4x!tpu.dma_semaphore, #tpu.memory_space<semaphore_mem>> -> memref<1x!tpu.dma_semaphore, #tpu.memory_space<semaphore_mem>>
      %dma_wait3A_676 = tpu.memref_squeeze %dma_wait3A_675 : memref<1x!tpu.dma_semaphore, #tpu.memory_space<semaphore_mem>> -> memref<!tpu.dma_semaphore, #tpu.memory_space<semaphore_mem>>
      %dma_wait3A_677 = arith.constant 0 : i32
      %dma_wait3A_678 = tpu.memref_slice %arg4[%add3A_666, %dma_wait3A_677] : memref<819200x128xf32, #tpu.memory_space<hbm>> -> memref<256x64xf32, #tpu.memory_space<hbm>>
      %dma_wait3A_679 = arith.constant 0 : i32
      %dma_wait3A_680 = arith.constant 0 : i32
      %dma_wait3A_681 = tpu.memref_slice %arg6[%dma_wait3A_667, %dma_wait3A_679, %dma_wait3A_680] : memref<4x256x64xf32, #tpu.memory_space<vmem>> -> memref<1x256x64xf32, #tpu.memory_space<vmem>>
      %dma_wait3A_682 = tpu.memref_squeeze %dma_wait3A_681 : memref<1x256x64xf32, #tpu.memory_space<vmem>> -> memref<256x64xf32, #tpu.memory_space<vmem>>
      tpu.wait_dma2 semaphore(%dma_wait3A_676 : memref<!tpu.dma_semaphore, #tpu.memory_space<semaphore_mem>>) src(%dma_wait3A_682 : memref<256x64xf32, #tpu.memory_space<vmem>>) dst(%dma_wait3A_678 : memref<256x64xf32, #tpu.memory_space<hbm>>)
      %add3A_683 = arith.constant 1 : i32
      %add3A_684 = arith.addi %add3A_385, %add3A_683 : i32
      %mul3A_685 = arith.constant 256 : i32
      %mul3A_686 = arith.muli %add3A_684, %mul3A_685 : i32
      %add3A_687 = arith.addi %mul3A_2, %mul3A_686 : i32
      %dma_wait3A_688 = arith.constant 1 : i32
      %dma_wait3A_689 = arith.constant 1 : i32
      %dma_wait3A_690 = arith.constant 0 : i32
      %dma_wait3A_691 = tpu.memref_slice %arg5[%dma_wait3A_688, %dma_wait3A_690] : memref<4x256xi32, #tpu.memory_space<vmem>> -> memref<1x256xi32, #tpu.memory_space<vmem>>
      %dma_wait3A_692 = tpu.memref_squeeze %dma_wait3A_691 : memref<1x256xi32, #tpu.memory_space<vmem>> -> memref<256xi32, #tpu.memory_space<vmem>>
      %dma_wait3A_693 = tpu.memref_slice %arg2[%add3A_687] : memref<819200xi32, #tpu.memory_space<hbm>> -> memref<256xi32, #tpu.memory_space<hbm>>
      %dma_wait3A_694 = tpu.memref_slice %arg7[%dma_wait3A_689] : memref<4x!tpu.dma_semaphore, #tpu.memory_space<semaphore_mem>> -> memref<1x!tpu.dma_semaphore, #tpu.memory_space<semaphore_mem>>
      %dma_wait3A_695 = tpu.memref_squeeze %dma_wait3A_694 : memref<1x!tpu.dma_semaphore, #tpu.memory_space<semaphore_mem>> -> memref<!tpu.dma_semaphore, #tpu.memory_space<semaphore_mem>>
      %dma_wait3A_696 = arith.constant 0 : i32
      %dma_wait3A_697 = tpu.memref_slice %arg5[%dma_wait3A_688, %dma_wait3A_696] : memref<4x256xi32, #tpu.memory_space<vmem>> -> memref<1x256xi32, #tpu.memory_space<vmem>>
      %dma_wait3A_698 = tpu.memref_squeeze %dma_wait3A_697 : memref<1x256xi32, #tpu.memory_space<vmem>> -> memref<256xi32, #tpu.memory_space<vmem>>
      %dma_wait3A_699 = tpu.memref_slice %arg2[%add3A_687] : memref<819200xi32, #tpu.memory_space<hbm>> -> memref<256xi32, #tpu.memory_space<hbm>>
      tpu.wait_dma2 semaphore(%dma_wait3A_695 : memref<!tpu.dma_semaphore, #tpu.memory_space<semaphore_mem>>) src(%dma_wait3A_699 : memref<256xi32, #tpu.memory_space<hbm>>) dst(%dma_wait3A_698 : memref<256xi32, #tpu.memory_space<vmem>>)
      %dma_start3A_700 = arith.constant 1 : i32
      %dma_start3A_701 = arith.constant 1 : i32
      %dma_start3A_702 = arith.constant 1 : i32
      %dma_start3A_703 = arith.constant 0 : i32
      %dma_start3A_704 = arith.constant 0 : i32
      %dma_start3A_705 = tpu.memref_slice %arg6[%dma_start3A_701, %dma_start3A_703, %dma_start3A_704] : memref<4x256x64xf32, #tpu.memory_space<vmem>> -> memref<1x256x64xf32, #tpu.memory_space<vmem>>
      %dma_start3A_706 = tpu.memref_squeeze %dma_start3A_705 : memref<1x256x64xf32, #tpu.memory_space<vmem>> -> memref<256x64xf32, #tpu.memory_space<vmem>>
      %dma_start3A_707 = arith.constant 0 : i32
      %dma_start3A_708 = tpu.memref_slice %arg5[%dma_start3A_700, %dma_start3A_707] : memref<4x256xi32, #tpu.memory_space<vmem>> -> memref<1x256xi32, #tpu.memory_space<vmem>>
      %dma_start3A_709 = tpu.memref_squeeze %dma_start3A_708 : memref<1x256xi32, #tpu.memory_space<vmem>> -> memref<256xi32, #tpu.memory_space<vmem>>
      %dma_start3A_710 = arith.constant 0 : i32
      %dma_start3A_711 = arith.constant 0 : i32
      %dma_start3A_712 = tpu.memref_slice %arg3[%dma_start3A_710, %dma_start3A_711] : memref<1000000x64xf32, #tpu.memory_space<hbm>> -> memref<1000000x64xf32, #tpu.memory_space<hbm>>
      %dma_start3A_713 = tpu.memref_slice %arg8[%dma_start3A_702] : memref<4x!tpu.dma_semaphore, #tpu.memory_space<semaphore_mem>> -> memref<1x!tpu.dma_semaphore, #tpu.memory_space<semaphore_mem>>
      %dma_start3A_714 = tpu.memref_squeeze %dma_start3A_713 : memref<1x!tpu.dma_semaphore, #tpu.memory_space<semaphore_mem>> -> memref<!tpu.dma_semaphore, #tpu.memory_space<semaphore_mem>>
      tpu.enqueue_indirect_dma source(%dma_start3A_712 : memref<1000000x64xf32, #tpu.memory_space<hbm>>) target(%dma_start3A_706 : memref<256x64xf32, #tpu.memory_space<vmem>>) offsets(%dma_start3A_709 : memref<256xi32, #tpu.memory_space<vmem>>) semaphore(%dma_start3A_714 : memref<!tpu.dma_semaphore, #tpu.memory_space<semaphore_mem>>)
      %sub3A_715 = arith.constant 4 : i32
      %sub3A_716 = arith.subi %add3A_385, %sub3A_715 : i32
      %add3A_717 = arith.constant 2 : i32
      %add3A_718 = arith.addi %sub3A_716, %add3A_717 : i32
      %mul3A_719 = arith.constant 256 : i32
      %mul3A_720 = arith.muli %add3A_718, %mul3A_719 : i32
      %add3A_721 = arith.addi %mul3A_2, %mul3A_720 : i32
      %dma_wait3A_722 = arith.constant 2 : i32
      %dma_wait3A_723 = arith.constant 2 : i32
      %dma_wait3A_724 = arith.constant 0 : i32
      %dma_wait3A_725 = arith.constant 0 : i32
      %dma_wait3A_726 = tpu.memref_slice %arg6[%dma_wait3A_722, %dma_wait3A_724, %dma_wait3A_725] : memref<4x256x64xf32, #tpu.memory_space<vmem>> -> memref<1x256x64xf32, #tpu.memory_space<vmem>>
      %dma_wait3A_727 = tpu.memref_squeeze %dma_wait3A_726 : memref<1x256x64xf32, #tpu.memory_space<vmem>> -> memref<256x64xf32, #tpu.memory_space<vmem>>
      %dma_wait3A_728 = arith.constant 0 : i32
      %dma_wait3A_729 = tpu.memref_slice %arg4[%add3A_721, %dma_wait3A_728] : memref<819200x128xf32, #tpu.memory_space<hbm>> -> memref<256x64xf32, #tpu.memory_space<hbm>>
      %dma_wait3A_730 = tpu.memref_slice %arg9[%dma_wait3A_723] : memref<4x!tpu.dma_semaphore, #tpu.memory_space<semaphore_mem>> -> memref<1x!tpu.dma_semaphore, #tpu.memory_space<semaphore_mem>>
      %dma_wait3A_731 = tpu.memref_squeeze %dma_wait3A_730 : memref<1x!tpu.dma_semaphore, #tpu.memory_space<semaphore_mem>> -> memref<!tpu.dma_semaphore, #tpu.memory_space<semaphore_mem>>
      %dma_wait3A_732 = arith.constant 0 : i32
      %dma_wait3A_733 = tpu.memref_slice %arg4[%add3A_721, %dma_wait3A_732] : memref<819200x128xf32, #tpu.memory_space<hbm>> -> memref<256x64xf32, #tpu.memory_space<hbm>>
      %dma_wait3A_734 = arith.constant 0 : i32
      %dma_wait3A_735 = arith.constant 0 : i32
      %dma_wait3A_736 = tpu.memref_slice %arg6[%dma_wait3A_722, %dma_wait3A_734, %dma_wait3A_735] : memref<4x256x64xf32, #tpu.memory_space<vmem>> -> memref<1x256x64xf32, #tpu.memory_space<vmem>>
      %dma_wait3A_737 = tpu.memref_squeeze %dma_wait3A_736 : memref<1x256x64xf32, #tpu.memory_space<vmem>> -> memref<256x64xf32, #tpu.memory_space<vmem>>
      tpu.wait_dma2 semaphore(%dma_wait3A_731 : memref<!tpu.dma_semaphore, #tpu.memory_space<semaphore_mem>>) src(%dma_wait3A_737 : memref<256x64xf32, #tpu.memory_space<vmem>>) dst(%dma_wait3A_733 : memref<256x64xf32, #tpu.memory_space<hbm>>)
      %add3A_738 = arith.constant 2 : i32
      %add3A_739 = arith.addi %add3A_385, %add3A_738 : i32
      %mul3A_740 = arith.constant 256 : i32
      %mul3A_741 = arith.muli %add3A_739, %mul3A_740 : i32
      %add3A_742 = arith.addi %mul3A_2, %mul3A_741 : i32
      %dma_wait3A_743 = arith.constant 2 : i32
      %dma_wait3A_744 = arith.constant 2 : i32
      %dma_wait3A_745 = arith.constant 0 : i32
      %dma_wait3A_746 = tpu.memref_slice %arg5[%dma_wait3A_743, %dma_wait3A_745] : memref<4x256xi32, #tpu.memory_space<vmem>> -> memref<1x256xi32, #tpu.memory_space<vmem>>
      %dma_wait3A_747 = tpu.memref_squeeze %dma_wait3A_746 : memref<1x256xi32, #tpu.memory_space<vmem>> -> memref<256xi32, #tpu.memory_space<vmem>>
      %dma_wait3A_748 = tpu.memref_slice %arg2[%add3A_742] : memref<819200xi32, #tpu.memory_space<hbm>> -> memref<256xi32, #tpu.memory_space<hbm>>
      %dma_wait3A_749 = tpu.memref_slice %arg7[%dma_wait3A_744] : memref<4x!tpu.dma_semaphore, #tpu.memory_space<semaphore_mem>> -> memref<1x!tpu.dma_semaphore, #tpu.memory_space<semaphore_mem>>
      %dma_wait3A_750 = tpu.memref_squeeze %dma_wait3A_749 : memref<1x!tpu.dma_semaphore, #tpu.memory_space<semaphore_mem>> -> memref<!tpu.dma_semaphore, #tpu.memory_space<semaphore_mem>>
      %dma_wait3A_751 = arith.constant 0 : i32
      %dma_wait3A_752 = tpu.memref_slice %arg5[%dma_wait3A_743, %dma_wait3A_751] : memref<4x256xi32, #tpu.memory_space<vmem>> -> memref<1x256xi32, #tpu.memory_space<vmem>>
      %dma_wait3A_753 = tpu.memref_squeeze %dma_wait3A_752 : memref<1x256xi32, #tpu.memory_space<vmem>> -> memref<256xi32, #tpu.memory_space<vmem>>
      %dma_wait3A_754 = tpu.memref_slice %arg2[%add3A_742] : memref<819200xi32, #tpu.memory_space<hbm>> -> memref<256xi32, #tpu.memory_space<hbm>>
      tpu.wait_dma2 semaphore(%dma_wait3A_750 : memref<!tpu.dma_semaphore, #tpu.memory_space<semaphore_mem>>) src(%dma_wait3A_754 : memref<256xi32, #tpu.memory_space<hbm>>) dst(%dma_wait3A_753 : memref<256xi32, #tpu.memory_space<vmem>>)
      %dma_start3A_755 = arith.constant 2 : i32
      %dma_start3A_756 = arith.constant 2 : i32
      %dma_start3A_757 = arith.constant 2 : i32
      %dma_start3A_758 = arith.constant 0 : i32
      %dma_start3A_759 = arith.constant 0 : i32
      %dma_start3A_760 = tpu.memref_slice %arg6[%dma_start3A_756, %dma_start3A_758, %dma_start3A_759] : memref<4x256x64xf32, #tpu.memory_space<vmem>> -> memref<1x256x64xf32, #tpu.memory_space<vmem>>
      %dma_start3A_761 = tpu.memref_squeeze %dma_start3A_760 : memref<1x256x64xf32, #tpu.memory_space<vmem>> -> memref<256x64xf32, #tpu.memory_space<vmem>>
      %dma_start3A_762 = arith.constant 0 : i32
      %dma_start3A_763 = tpu.memref_slice %arg5[%dma_start3A_755, %dma_start3A_762] : memref<4x256xi32, #tpu.memory_space<vmem>> -> memref<1x256xi32, #tpu.memory_space<vmem>>
      %dma_start3A_764 = tpu.memref_squeeze %dma_start3A_763 : memref<1x256xi32, #tpu.memory_space<vmem>> -> memref<256xi32, #tpu.memory_space<vmem>>
      %dma_start3A_765 = arith.constant 0 : i32
      %dma_start3A_766 = arith.constant 0 : i32
      %dma_start3A_767 = tpu.memref_slice %arg3[%dma_start3A_765, %dma_start3A_766] : memref<1000000x64xf32, #tpu.memory_space<hbm>> -> memref<1000000x64xf32, #tpu.memory_space<hbm>>
      %dma_start3A_768 = tpu.memref_slice %arg8[%dma_start3A_757] : memref<4x!tpu.dma_semaphore, #tpu.memory_space<semaphore_mem>> -> memref<1x!tpu.dma_semaphore, #tpu.memory_space<semaphore_mem>>
      %dma_start3A_769 = tpu.memref_squeeze %dma_start3A_768 : memref<1x!tpu.dma_semaphore, #tpu.memory_space<semaphore_mem>> -> memref<!tpu.dma_semaphore, #tpu.memory_space<semaphore_mem>>
      tpu.enqueue_indirect_dma source(%dma_start3A_767 : memref<1000000x64xf32, #tpu.memory_space<hbm>>) target(%dma_start3A_761 : memref<256x64xf32, #tpu.memory_space<vmem>>) offsets(%dma_start3A_764 : memref<256xi32, #tpu.memory_space<vmem>>) semaphore(%dma_start3A_769 : memref<!tpu.dma_semaphore, #tpu.memory_space<semaphore_mem>>)
      %sub3A_770 = arith.constant 4 : i32
      %sub3A_771 = arith.subi %add3A_385, %sub3A_770 : i32
      %add3A_772 = arith.constant 3 : i32
      %add3A_773 = arith.addi %sub3A_771, %add3A_772 : i32
      %mul3A_774 = arith.constant 256 : i32
      %mul3A_775 = arith.muli %add3A_773, %mul3A_774 : i32
      %add3A_776 = arith.addi %mul3A_2, %mul3A_775 : i32
      %dma_wait3A_777 = arith.constant 3 : i32
      %dma_wait3A_778 = arith.constant 3 : i32
      %dma_wait3A_779 = arith.constant 0 : i32
      %dma_wait3A_780 = arith.constant 0 : i32
      %dma_wait3A_781 = tpu.memref_slice %arg6[%dma_wait3A_777, %dma_wait3A_779, %dma_wait3A_780] : memref<4x256x64xf32, #tpu.memory_space<vmem>> -> memref<1x256x64xf32, #tpu.memory_space<vmem>>
      %dma_wait3A_782 = tpu.memref_squeeze %dma_wait3A_781 : memref<1x256x64xf32, #tpu.memory_space<vmem>> -> memref<256x64xf32, #tpu.memory_space<vmem>>
      %dma_wait3A_783 = arith.constant 0 : i32
      %dma_wait3A_784 = tpu.memref_slice %arg4[%add3A_776, %dma_wait3A_783] : memref<819200x128xf32, #tpu.memory_space<hbm>> -> memref<256x64xf32, #tpu.memory_space<hbm>>
      %dma_wait3A_785 = tpu.memref_slice %arg9[%dma_wait3A_778] : memref<4x!tpu.dma_semaphore, #tpu.memory_space<semaphore_mem>> -> memref<1x!tpu.dma_semaphore, #tpu.memory_space<semaphore_mem>>
      %dma_wait3A_786 = tpu.memref_squeeze %dma_wait3A_785 : memref<1x!tpu.dma_semaphore, #tpu.memory_space<semaphore_mem>> -> memref<!tpu.dma_semaphore, #tpu.memory_space<semaphore_mem>>
      %dma_wait3A_787 = arith.constant 0 : i32
      %dma_wait3A_788 = tpu.memref_slice %arg4[%add3A_776, %dma_wait3A_787] : memref<819200x128xf32, #tpu.memory_space<hbm>> -> memref<256x64xf32, #tpu.memory_space<hbm>>
      %dma_wait3A_789 = arith.constant 0 : i32
      %dma_wait3A_790 = arith.constant 0 : i32
      %dma_wait3A_791 = tpu.memref_slice %arg6[%dma_wait3A_777, %dma_wait3A_789, %dma_wait3A_790] : memref<4x256x64xf32, #tpu.memory_space<vmem>> -> memref<1x256x64xf32, #tpu.memory_space<vmem>>
      %dma_wait3A_792 = tpu.memref_squeeze %dma_wait3A_791 : memref<1x256x64xf32, #tpu.memory_space<vmem>> -> memref<256x64xf32, #tpu.memory_space<vmem>>
      tpu.wait_dma2 semaphore(%dma_wait3A_786 : memref<!tpu.dma_semaphore, #tpu.memory_space<semaphore_mem>>) src(%dma_wait3A_792 : memref<256x64xf32, #tpu.memory_space<vmem>>) dst(%dma_wait3A_788 : memref<256x64xf32, #tpu.memory_space<hbm>>)
      %add3A_793 = arith.constant 3 : i32
      %add3A_794 = arith.addi %add3A_385, %add3A_793 : i32
      %mul3A_795 = arith.constant 256 : i32
      %mul3A_796 = arith.muli %add3A_794, %mul3A_795 : i32
      %add3A_797 = arith.addi %mul3A_2, %mul3A_796 : i32
      %dma_wait3A_798 = arith.constant 3 : i32
      %dma_wait3A_799 = arith.constant 3 : i32
      %dma_wait3A_800 = arith.constant 0 : i32
      %dma_wait3A_801 = tpu.memref_slice %arg5[%dma_wait3A_798, %dma_wait3A_800] : memref<4x256xi32, #tpu.memory_space<vmem>> -> memref<1x256xi32, #tpu.memory_space<vmem>>
      %dma_wait3A_802 = tpu.memref_squeeze %dma_wait3A_801 : memref<1x256xi32, #tpu.memory_space<vmem>> -> memref<256xi32, #tpu.memory_space<vmem>>
      %dma_wait3A_803 = tpu.memref_slice %arg2[%add3A_797] : memref<819200xi32, #tpu.memory_space<hbm>> -> memref<256xi32, #tpu.memory_space<hbm>>
      %dma_wait3A_804 = tpu.memref_slice %arg7[%dma_wait3A_799] : memref<4x!tpu.dma_semaphore, #tpu.memory_space<semaphore_mem>> -> memref<1x!tpu.dma_semaphore, #tpu.memory_space<semaphore_mem>>
      %dma_wait3A_805 = tpu.memref_squeeze %dma_wait3A_804 : memref<1x!tpu.dma_semaphore, #tpu.memory_space<semaphore_mem>> -> memref<!tpu.dma_semaphore, #tpu.memory_space<semaphore_mem>>
      %dma_wait3A_806 = arith.constant 0 : i32
      %dma_wait3A_807 = tpu.memref_slice %arg5[%dma_wait3A_798, %dma_wait3A_806] : memref<4x256xi32, #tpu.memory_space<vmem>> -> memref<1x256xi32, #tpu.memory_space<vmem>>
      %dma_wait3A_808 = tpu.memref_squeeze %dma_wait3A_807 : memref<1x256xi32, #tpu.memory_space<vmem>> -> memref<256xi32, #tpu.memory_space<vmem>>
      %dma_wait3A_809 = tpu.memref_slice %arg2[%add3A_797] : memref<819200xi32, #tpu.memory_space<hbm>> -> memref<256xi32, #tpu.memory_space<hbm>>
      tpu.wait_dma2 semaphore(%dma_wait3A_805 : memref<!tpu.dma_semaphore, #tpu.memory_space<semaphore_mem>>) src(%dma_wait3A_809 : memref<256xi32, #tpu.memory_space<hbm>>) dst(%dma_wait3A_808 : memref<256xi32, #tpu.memory_space<vmem>>)
      %dma_start3A_810 = arith.constant 3 : i32
      %dma_start3A_811 = arith.constant 3 : i32
      %dma_start3A_812 = arith.constant 3 : i32
      %dma_start3A_813 = arith.constant 0 : i32
      %dma_start3A_814 = arith.constant 0 : i32
      %dma_start3A_815 = tpu.memref_slice %arg6[%dma_start3A_811, %dma_start3A_813, %dma_start3A_814] : memref<4x256x64xf32, #tpu.memory_space<vmem>> -> memref<1x256x64xf32, #tpu.memory_space<vmem>>
      %dma_start3A_816 = tpu.memref_squeeze %dma_start3A_815 : memref<1x256x64xf32, #tpu.memory_space<vmem>> -> memref<256x64xf32, #tpu.memory_space<vmem>>
      %dma_start3A_817 = arith.constant 0 : i32
      %dma_start3A_818 = tpu.memref_slice %arg5[%dma_start3A_810, %dma_start3A_817] : memref<4x256xi32, #tpu.memory_space<vmem>> -> memref<1x256xi32, #tpu.memory_space<vmem>>
      %dma_start3A_819 = tpu.memref_squeeze %dma_start3A_818 : memref<1x256xi32, #tpu.memory_space<vmem>> -> memref<256xi32, #tpu.memory_space<vmem>>
      %dma_start3A_820 = arith.constant 0 : i32
      %dma_start3A_821 = arith.constant 0 : i32
      %dma_start3A_822 = tpu.memref_slice %arg3[%dma_start3A_820, %dma_start3A_821] : memref<1000000x64xf32, #tpu.memory_space<hbm>> -> memref<1000000x64xf32, #tpu.memory_space<hbm>>
      %dma_start3A_823 = tpu.memref_slice %arg8[%dma_start3A_812] : memref<4x!tpu.dma_semaphore, #tpu.memory_space<semaphore_mem>> -> memref<1x!tpu.dma_semaphore, #tpu.memory_space<semaphore_mem>>
      %dma_start3A_824 = tpu.memref_squeeze %dma_start3A_823 : memref<1x!tpu.dma_semaphore, #tpu.memory_space<semaphore_mem>> -> memref<!tpu.dma_semaphore, #tpu.memory_space<semaphore_mem>>
      tpu.enqueue_indirect_dma source(%dma_start3A_822 : memref<1000000x64xf32, #tpu.memory_space<hbm>>) target(%dma_start3A_816 : memref<256x64xf32, #tpu.memory_space<vmem>>) offsets(%dma_start3A_819 : memref<256xi32, #tpu.memory_space<vmem>>) semaphore(%dma_start3A_824 : memref<!tpu.dma_semaphore, #tpu.memory_space<semaphore_mem>>)
    }
    %scan3A_176 = arith.constant 24 : i32
    %dma_wait3A_177 = arith.constant 0 : i32
    %dma_wait3A_178 = arith.constant 0 : i32
    %dma_wait3A_179 = arith.constant 0 : i32
    %dma_wait3A_180 = arith.constant 0 : i32
    %dma_wait3A_181 = arith.constant 0 : i32
    %dma_wait3A_182 = tpu.memref_slice %arg6[%dma_wait3A_178, %dma_wait3A_180, %dma_wait3A_181] : memref<4x256x64xf32, #tpu.memory_space<vmem>> -> memref<1x256x64xf32, #tpu.memory_space<vmem>>
    %dma_wait3A_183 = tpu.memref_squeeze %dma_wait3A_182 : memref<1x256x64xf32, #tpu.memory_space<vmem>> -> memref<256x64xf32, #tpu.memory_space<vmem>>
    %dma_wait3A_184 = arith.constant 0 : i32
    %dma_wait3A_185 = tpu.memref_slice %arg5[%dma_wait3A_177, %dma_wait3A_184] : memref<4x256xi32, #tpu.memory_space<vmem>> -> memref<1x256xi32, #tpu.memory_space<vmem>>
    %dma_wait3A_186 = tpu.memref_squeeze %dma_wait3A_185 : memref<1x256xi32, #tpu.memory_space<vmem>> -> memref<256xi32, #tpu.memory_space<vmem>>
    %dma_wait3A_187 = arith.constant 0 : i32
    %dma_wait3A_188 = arith.constant 0 : i32
    %dma_wait3A_189 = tpu.memref_slice %arg3[%dma_wait3A_187, %dma_wait3A_188] : memref<1000000x64xf32, #tpu.memory_space<hbm>> -> memref<1000000x64xf32, #tpu.memory_space<hbm>>
    %dma_wait3A_190 = tpu.memref_slice %arg8[%dma_wait3A_179] : memref<4x!tpu.dma_semaphore, #tpu.memory_space<semaphore_mem>> -> memref<1x!tpu.dma_semaphore, #tpu.memory_space<semaphore_mem>>
    %dma_wait3A_191 = tpu.memref_squeeze %dma_wait3A_190 : memref<1x!tpu.dma_semaphore, #tpu.memory_space<semaphore_mem>> -> memref<!tpu.dma_semaphore, #tpu.memory_space<semaphore_mem>>
    tpu.wait_indirect_dma semaphore(%dma_wait3A_191 : memref<!tpu.dma_semaphore, #tpu.memory_space<semaphore_mem>>) src(%dma_wait3A_189 : memref<1000000x64xf32, #tpu.memory_space<hbm>>) dst(%dma_wait3A_183 : memref<256x64xf32, #tpu.memory_space<vmem>>)
    %add3A_192 = arith.constant 24576 : i32
    %add3A_193 = arith.addi %mul3A_2, %add3A_192 : i32
    %dma_start3A_194 = arith.constant 0 : i32
    %dma_start3A_195 = arith.constant 0 : i32
    %dma_start3A_196 = arith.constant 0 : i32
    %dma_start3A_197 = arith.constant 0 : i32
    %dma_start3A_198 = tpu.memref_slice %arg6[%dma_start3A_194, %dma_start3A_196, %dma_start3A_197] : memref<4x256x64xf32, #tpu.memory_space<vmem>> -> memref<1x256x64xf32, #tpu.memory_space<vmem>>
    %dma_start3A_199 = tpu.memref_squeeze %dma_start3A_198 : memref<1x256x64xf32, #tpu.memory_space<vmem>> -> memref<256x64xf32, #tpu.memory_space<vmem>>
    %dma_start3A_200 = arith.constant 0 : i32
    %dma_start3A_201 = tpu.memref_slice %arg4[%add3A_193, %dma_start3A_200] : memref<819200x128xf32, #tpu.memory_space<hbm>> -> memref<256x64xf32, #tpu.memory_space<hbm>>
    %dma_start3A_202 = tpu.memref_slice %arg9[%dma_start3A_195] : memref<4x!tpu.dma_semaphore, #tpu.memory_space<semaphore_mem>> -> memref<1x!tpu.dma_semaphore, #tpu.memory_space<semaphore_mem>>
    %dma_start3A_203 = tpu.memref_squeeze %dma_start3A_202 : memref<1x!tpu.dma_semaphore, #tpu.memory_space<semaphore_mem>> -> memref<!tpu.dma_semaphore, #tpu.memory_space<semaphore_mem>>
    %dma_start3A_204 = arith.constant 0 : i32
    %dma_start3A_205 = tpu.memref_slice %arg4[%add3A_193, %dma_start3A_204] : memref<819200x128xf32, #tpu.memory_space<hbm>> -> memref<256x64xf32, #tpu.memory_space<hbm>>
    %dma_start3A_206 = arith.constant 0 : i32
    %dma_start3A_207 = arith.constant 0 : i32
    %dma_start3A_208 = tpu.memref_slice %arg6[%dma_start3A_194, %dma_start3A_206, %dma_start3A_207] : memref<4x256x64xf32, #tpu.memory_space<vmem>> -> memref<1x256x64xf32, #tpu.memory_space<vmem>>
    %dma_start3A_209 = tpu.memref_squeeze %dma_start3A_208 : memref<1x256x64xf32, #tpu.memory_space<vmem>> -> memref<256x64xf32, #tpu.memory_space<vmem>>
    tpu.enqueue_dma source(%dma_start3A_209 : memref<256x64xf32, #tpu.memory_space<vmem>>) target(%dma_start3A_205 : memref<256x64xf32, #tpu.memory_space<hbm>>) target_semaphore(%dma_start3A_203 : memref<!tpu.dma_semaphore, #tpu.memory_space<semaphore_mem>>)
    %dma_wait3A_210 = arith.constant 1 : i32
    %dma_wait3A_211 = arith.constant 1 : i32
    %dma_wait3A_212 = arith.constant 1 : i32
    %dma_wait3A_213 = arith.constant 0 : i32
    %dma_wait3A_214 = arith.constant 0 : i32
    %dma_wait3A_215 = tpu.memref_slice %arg6[%dma_wait3A_211, %dma_wait3A_213, %dma_wait3A_214] : memref<4x256x64xf32, #tpu.memory_space<vmem>> -> memref<1x256x64xf32, #tpu.memory_space<vmem>>
    %dma_wait3A_216 = tpu.memref_squeeze %dma_wait3A_215 : memref<1x256x64xf32, #tpu.memory_space<vmem>> -> memref<256x64xf32, #tpu.memory_space<vmem>>
    %dma_wait3A_217 = arith.constant 0 : i32
    %dma_wait3A_218 = tpu.memref_slice %arg5[%dma_wait3A_210, %dma_wait3A_217] : memref<4x256xi32, #tpu.memory_space<vmem>> -> memref<1x256xi32, #tpu.memory_space<vmem>>
    %dma_wait3A_219 = tpu.memref_squeeze %dma_wait3A_218 : memref<1x256xi32, #tpu.memory_space<vmem>> -> memref<256xi32, #tpu.memory_space<vmem>>
    %dma_wait3A_220 = arith.constant 0 : i32
    %dma_wait3A_221 = arith.constant 0 : i32
    %dma_wait3A_222 = tpu.memref_slice %arg3[%dma_wait3A_220, %dma_wait3A_221] : memref<1000000x64xf32, #tpu.memory_space<hbm>> -> memref<1000000x64xf32, #tpu.memory_space<hbm>>
    %dma_wait3A_223 = tpu.memref_slice %arg8[%dma_wait3A_212] : memref<4x!tpu.dma_semaphore, #tpu.memory_space<semaphore_mem>> -> memref<1x!tpu.dma_semaphore, #tpu.memory_space<semaphore_mem>>
    %dma_wait3A_224 = tpu.memref_squeeze %dma_wait3A_223 : memref<1x!tpu.dma_semaphore, #tpu.memory_space<semaphore_mem>> -> memref<!tpu.dma_semaphore, #tpu.memory_space<semaphore_mem>>
    tpu.wait_indirect_dma semaphore(%dma_wait3A_224 : memref<!tpu.dma_semaphore, #tpu.memory_space<semaphore_mem>>) src(%dma_wait3A_222 : memref<1000000x64xf32, #tpu.memory_space<hbm>>) dst(%dma_wait3A_216 : memref<256x64xf32, #tpu.memory_space<vmem>>)
    %add3A_225 = arith.constant 24832 : i32
    %add3A_226 = arith.addi %mul3A_2, %add3A_225 : i32
    %dma_start3A_227 = arith.constant 1 : i32
    %dma_start3A_228 = arith.constant 1 : i32
    %dma_start3A_229 = arith.constant 0 : i32
    %dma_start3A_230 = arith.constant 0 : i32
    %dma_start3A_231 = tpu.memref_slice %arg6[%dma_start3A_227, %dma_start3A_229, %dma_start3A_230] : memref<4x256x64xf32, #tpu.memory_space<vmem>> -> memref<1x256x64xf32, #tpu.memory_space<vmem>>
    %dma_start3A_232 = tpu.memref_squeeze %dma_start3A_231 : memref<1x256x64xf32, #tpu.memory_space<vmem>> -> memref<256x64xf32, #tpu.memory_space<vmem>>
    %dma_start3A_233 = arith.constant 0 : i32
    %dma_start3A_234 = tpu.memref_slice %arg4[%add3A_226, %dma_start3A_233] : memref<819200x128xf32, #tpu.memory_space<hbm>> -> memref<256x64xf32, #tpu.memory_space<hbm>>
    %dma_start3A_235 = tpu.memref_slice %arg9[%dma_start3A_228] : memref<4x!tpu.dma_semaphore, #tpu.memory_space<semaphore_mem>> -> memref<1x!tpu.dma_semaphore, #tpu.memory_space<semaphore_mem>>
    %dma_start3A_236 = tpu.memref_squeeze %dma_start3A_235 : memref<1x!tpu.dma_semaphore, #tpu.memory_space<semaphore_mem>> -> memref<!tpu.dma_semaphore, #tpu.memory_space<semaphore_mem>>
    %dma_start3A_237 = arith.constant 0 : i32
    %dma_start3A_238 = tpu.memref_slice %arg4[%add3A_226, %dma_start3A_237] : memref<819200x128xf32, #tpu.memory_space<hbm>> -> memref<256x64xf32, #tpu.memory_space<hbm>>
    %dma_start3A_239 = arith.constant 0 : i32
    %dma_start3A_240 = arith.constant 0 : i32
    %dma_start3A_241 = tpu.memref_slice %arg6[%dma_start3A_227, %dma_start3A_239, %dma_start3A_240] : memref<4x256x64xf32, #tpu.memory_space<vmem>> -> memref<1x256x64xf32, #tpu.memory_space<vmem>>
    %dma_start3A_242 = tpu.memref_squeeze %dma_start3A_241 : memref<1x256x64xf32, #tpu.memory_space<vmem>> -> memref<256x64xf32, #tpu.memory_space<vmem>>
    tpu.enqueue_dma source(%dma_start3A_242 : memref<256x64xf32, #tpu.memory_space<vmem>>) target(%dma_start3A_238 : memref<256x64xf32, #tpu.memory_space<hbm>>) target_semaphore(%dma_start3A_236 : memref<!tpu.dma_semaphore, #tpu.memory_space<semaphore_mem>>)
    %dma_wait3A_243 = arith.constant 2 : i32
    %dma_wait3A_244 = arith.constant 2 : i32
    %dma_wait3A_245 = arith.constant 2 : i32
    %dma_wait3A_246 = arith.constant 0 : i32
    %dma_wait3A_247 = arith.constant 0 : i32
    %dma_wait3A_248 = tpu.memref_slice %arg6[%dma_wait3A_244, %dma_wait3A_246, %dma_wait3A_247] : memref<4x256x64xf32, #tpu.memory_space<vmem>> -> memref<1x256x64xf32, #tpu.memory_space<vmem>>
    %dma_wait3A_249 = tpu.memref_squeeze %dma_wait3A_248 : memref<1x256x64xf32, #tpu.memory_space<vmem>> -> memref<256x64xf32, #tpu.memory_space<vmem>>
    %dma_wait3A_250 = arith.constant 0 : i32
    %dma_wait3A_251 = tpu.memref_slice %arg5[%dma_wait3A_243, %dma_wait3A_250] : memref<4x256xi32, #tpu.memory_space<vmem>> -> memref<1x256xi32, #tpu.memory_space<vmem>>
    %dma_wait3A_252 = tpu.memref_squeeze %dma_wait3A_251 : memref<1x256xi32, #tpu.memory_space<vmem>> -> memref<256xi32, #tpu.memory_space<vmem>>
    %dma_wait3A_253 = arith.constant 0 : i32
    %dma_wait3A_254 = arith.constant 0 : i32
    %dma_wait3A_255 = tpu.memref_slice %arg3[%dma_wait3A_253, %dma_wait3A_254] : memref<1000000x64xf32, #tpu.memory_space<hbm>> -> memref<1000000x64xf32, #tpu.memory_space<hbm>>
    %dma_wait3A_256 = tpu.memref_slice %arg8[%dma_wait3A_245] : memref<4x!tpu.dma_semaphore, #tpu.memory_space<semaphore_mem>> -> memref<1x!tpu.dma_semaphore, #tpu.memory_space<semaphore_mem>>
    %dma_wait3A_257 = tpu.memref_squeeze %dma_wait3A_256 : memref<1x!tpu.dma_semaphore, #tpu.memory_space<semaphore_mem>> -> memref<!tpu.dma_semaphore, #tpu.memory_space<semaphore_mem>>
    tpu.wait_indirect_dma semaphore(%dma_wait3A_257 : memref<!tpu.dma_semaphore, #tpu.memory_space<semaphore_mem>>) src(%dma_wait3A_255 : memref<1000000x64xf32, #tpu.memory_space<hbm>>) dst(%dma_wait3A_249 : memref<256x64xf32, #tpu.memory_space<vmem>>)
    %add3A_258 = arith.constant 25088 : i32
    %add3A_259 = arith.addi %mul3A_2, %add3A_258 : i32
    %dma_start3A_260 = arith.constant 2 : i32
    %dma_start3A_261 = arith.constant 2 : i32
    %dma_start3A_262 = arith.constant 0 : i32
    %dma_start3A_263 = arith.constant 0 : i32
    %dma_start3A_264 = tpu.memref_slice %arg6[%dma_start3A_260, %dma_start3A_262, %dma_start3A_263] : memref<4x256x64xf32, #tpu.memory_space<vmem>> -> memref<1x256x64xf32, #tpu.memory_space<vmem>>
    %dma_start3A_265 = tpu.memref_squeeze %dma_start3A_264 : memref<1x256x64xf32, #tpu.memory_space<vmem>> -> memref<256x64xf32, #tpu.memory_space<vmem>>
    %dma_start3A_266 = arith.constant 0 : i32
    %dma_start3A_267 = tpu.memref_slice %arg4[%add3A_259, %dma_start3A_266] : memref<819200x128xf32, #tpu.memory_space<hbm>> -> memref<256x64xf32, #tpu.memory_space<hbm>>
    %dma_start3A_268 = tpu.memref_slice %arg9[%dma_start3A_261] : memref<4x!tpu.dma_semaphore, #tpu.memory_space<semaphore_mem>> -> memref<1x!tpu.dma_semaphore, #tpu.memory_space<semaphore_mem>>
    %dma_start3A_269 = tpu.memref_squeeze %dma_start3A_268 : memref<1x!tpu.dma_semaphore, #tpu.memory_space<semaphore_mem>> -> memref<!tpu.dma_semaphore, #tpu.memory_space<semaphore_mem>>
    %dma_start3A_270 = arith.constant 0 : i32
    %dma_start3A_271 = tpu.memref_slice %arg4[%add3A_259, %dma_start3A_270] : memref<819200x128xf32, #tpu.memory_space<hbm>> -> memref<256x64xf32, #tpu.memory_space<hbm>>
    %dma_start3A_272 = arith.constant 0 : i32
    %dma_start3A_273 = arith.constant 0 : i32
    %dma_start3A_274 = tpu.memref_slice %arg6[%dma_start3A_260, %dma_start3A_272, %dma_start3A_273] : memref<4x256x64xf32, #tpu.memory_space<vmem>> -> memref<1x256x64xf32, #tpu.memory_space<vmem>>
    %dma_start3A_275 = tpu.memref_squeeze %dma_start3A_274 : memref<1x256x64xf32, #tpu.memory_space<vmem>> -> memref<256x64xf32, #tpu.memory_space<vmem>>
    tpu.enqueue_dma source(%dma_start3A_275 : memref<256x64xf32, #tpu.memory_space<vmem>>) target(%dma_start3A_271 : memref<256x64xf32, #tpu.memory_space<hbm>>) target_semaphore(%dma_start3A_269 : memref<!tpu.dma_semaphore, #tpu.memory_space<semaphore_mem>>)
    %dma_wait3A_276 = arith.constant 3 : i32
    %dma_wait3A_277 = arith.constant 3 : i32
    %dma_wait3A_278 = arith.constant 3 : i32
    %dma_wait3A_279 = arith.constant 0 : i32
    %dma_wait3A_280 = arith.constant 0 : i32
    %dma_wait3A_281 = tpu.memref_slice %arg6[%dma_wait3A_277, %dma_wait3A_279, %dma_wait3A_280] : memref<4x256x64xf32, #tpu.memory_space<vmem>> -> memref<1x256x64xf32, #tpu.memory_space<vmem>>
    %dma_wait3A_282 = tpu.memref_squeeze %dma_wait3A_281 : memref<1x256x64xf32, #tpu.memory_space<vmem>> -> memref<256x64xf32, #tpu.memory_space<vmem>>
    %dma_wait3A_283 = arith.constant 0 : i32
    %dma_wait3A_284 = tpu.memref_slice %arg5[%dma_wait3A_276, %dma_wait3A_283] : memref<4x256xi32, #tpu.memory_space<vmem>> -> memref<1x256xi32, #tpu.memory_space<vmem>>
    %dma_wait3A_285 = tpu.memref_squeeze %dma_wait3A_284 : memref<1x256xi32, #tpu.memory_space<vmem>> -> memref<256xi32, #tpu.memory_space<vmem>>
    %dma_wait3A_286 = arith.constant 0 : i32
    %dma_wait3A_287 = arith.constant 0 : i32
    %dma_wait3A_288 = tpu.memref_slice %arg3[%dma_wait3A_286, %dma_wait3A_287] : memref<1000000x64xf32, #tpu.memory_space<hbm>> -> memref<1000000x64xf32, #tpu.memory_space<hbm>>
    %dma_wait3A_289 = tpu.memref_slice %arg8[%dma_wait3A_278] : memref<4x!tpu.dma_semaphore, #tpu.memory_space<semaphore_mem>> -> memref<1x!tpu.dma_semaphore, #tpu.memory_space<semaphore_mem>>
    %dma_wait3A_290 = tpu.memref_squeeze %dma_wait3A_289 : memref<1x!tpu.dma_semaphore, #tpu.memory_space<semaphore_mem>> -> memref<!tpu.dma_semaphore, #tpu.memory_space<semaphore_mem>>
    tpu.wait_indirect_dma semaphore(%dma_wait3A_290 : memref<!tpu.dma_semaphore, #tpu.memory_space<semaphore_mem>>) src(%dma_wait3A_288 : memref<1000000x64xf32, #tpu.memory_space<hbm>>) dst(%dma_wait3A_282 : memref<256x64xf32, #tpu.memory_space<vmem>>)
    %add3A_291 = arith.constant 25344 : i32
    %add3A_292 = arith.addi %mul3A_2, %add3A_291 : i32
    %dma_start3A_293 = arith.constant 3 : i32
    %dma_start3A_294 = arith.constant 3 : i32
    %dma_start3A_295 = arith.constant 0 : i32
    %dma_start3A_296 = arith.constant 0 : i32
    %dma_start3A_297 = tpu.memref_slice %arg6[%dma_start3A_293, %dma_start3A_295, %dma_start3A_296] : memref<4x256x64xf32, #tpu.memory_space<vmem>> -> memref<1x256x64xf32, #tpu.memory_space<vmem>>
    %dma_start3A_298 = tpu.memref_squeeze %dma_start3A_297 : memref<1x256x64xf32, #tpu.memory_space<vmem>> -> memref<256x64xf32, #tpu.memory_space<vmem>>
    %dma_start3A_299 = arith.constant 0 : i32
    %dma_start3A_300 = tpu.memref_slice %arg4[%add3A_292, %dma_start3A_299] : memref<819200x128xf32, #tpu.memory_space<hbm>> -> memref<256x64xf32, #tpu.memory_space<hbm>>
    %dma_start3A_301 = tpu.memref_slice %arg9[%dma_start3A_294] : memref<4x!tpu.dma_semaphore, #tpu.memory_space<semaphore_mem>> -> memref<1x!tpu.dma_semaphore, #tpu.memory_space<semaphore_mem>>
    %dma_start3A_302 = tpu.memref_squeeze %dma_start3A_301 : memref<1x!tpu.dma_semaphore, #tpu.memory_space<semaphore_mem>> -> memref<!tpu.dma_semaphore, #tpu.memory_space<semaphore_mem>>
    %dma_start3A_303 = arith.constant 0 : i32
    %dma_start3A_304 = tpu.memref_slice %arg4[%add3A_292, %dma_start3A_303] : memref<819200x128xf32, #tpu.memory_space<hbm>> -> memref<256x64xf32, #tpu.memory_space<hbm>>
    %dma_start3A_305 = arith.constant 0 : i32
    %dma_start3A_306 = arith.constant 0 : i32
    %dma_start3A_307 = tpu.memref_slice %arg6[%dma_start3A_293, %dma_start3A_305, %dma_start3A_306] : memref<4x256x64xf32, #tpu.memory_space<vmem>> -> memref<1x256x64xf32, #tpu.memory_space<vmem>>
    %dma_start3A_308 = tpu.memref_squeeze %dma_start3A_307 : memref<1x256x64xf32, #tpu.memory_space<vmem>> -> memref<256x64xf32, #tpu.memory_space<vmem>>
    tpu.enqueue_dma source(%dma_start3A_308 : memref<256x64xf32, #tpu.memory_space<vmem>>) target(%dma_start3A_304 : memref<256x64xf32, #tpu.memory_space<hbm>>) target_semaphore(%dma_start3A_302 : memref<!tpu.dma_semaphore, #tpu.memory_space<semaphore_mem>>)
    %add3A_309 = arith.constant 24576 : i32
    %add3A_310 = arith.addi %mul3A_2, %add3A_309 : i32
    %dma_wait3A_311 = arith.constant 0 : i32
    %dma_wait3A_312 = arith.constant 0 : i32
    %dma_wait3A_313 = arith.constant 0 : i32
    %dma_wait3A_314 = arith.constant 0 : i32
    %dma_wait3A_315 = tpu.memref_slice %arg6[%dma_wait3A_311, %dma_wait3A_313, %dma_wait3A_314] : memref<4x256x64xf32, #tpu.memory_space<vmem>> -> memref<1x256x64xf32, #tpu.memory_space<vmem>>
    %dma_wait3A_316 = tpu.memref_squeeze %dma_wait3A_315 : memref<1x256x64xf32, #tpu.memory_space<vmem>> -> memref<256x64xf32, #tpu.memory_space<vmem>>
    %dma_wait3A_317 = arith.constant 0 : i32
    %dma_wait3A_318 = tpu.memref_slice %arg4[%add3A_310, %dma_wait3A_317] : memref<819200x128xf32, #tpu.memory_space<hbm>> -> memref<256x64xf32, #tpu.memory_space<hbm>>
    %dma_wait3A_319 = tpu.memref_slice %arg9[%dma_wait3A_312] : memref<4x!tpu.dma_semaphore, #tpu.memory_space<semaphore_mem>> -> memref<1x!tpu.dma_semaphore, #tpu.memory_space<semaphore_mem>>
    %dma_wait3A_320 = tpu.memref_squeeze %dma_wait3A_319 : memref<1x!tpu.dma_semaphore, #tpu.memory_space<semaphore_mem>> -> memref<!tpu.dma_semaphore, #tpu.memory_space<semaphore_mem>>
    %dma_wait3A_321 = arith.constant 0 : i32
    %dma_wait3A_322 = tpu.memref_slice %arg4[%add3A_310, %dma_wait3A_321] : memref<819200x128xf32, #tpu.memory_space<hbm>> -> memref<256x64xf32, #tpu.memory_space<hbm>>
    %dma_wait3A_323 = arith.constant 0 : i32
    %dma_wait3A_324 = arith.constant 0 : i32
    %dma_wait3A_325 = tpu.memref_slice %arg6[%dma_wait3A_311, %dma_wait3A_323, %dma_wait3A_324] : memref<4x256x64xf32, #tpu.memory_space<vmem>> -> memref<1x256x64xf32, #tpu.memory_space<vmem>>
    %dma_wait3A_326 = tpu.memref_squeeze %dma_wait3A_325 : memref<1x256x64xf32, #tpu.memory_space<vmem>> -> memref<256x64xf32, #tpu.memory_space<vmem>>
    tpu.wait_dma2 semaphore(%dma_wait3A_320 : memref<!tpu.dma_semaphore, #tpu.memory_space<semaphore_mem>>) src(%dma_wait3A_326 : memref<256x64xf32, #tpu.memory_space<vmem>>) dst(%dma_wait3A_322 : memref<256x64xf32, #tpu.memory_space<hbm>>)
    %add3A_327 = arith.constant 24832 : i32
    %add3A_328 = arith.addi %mul3A_2, %add3A_327 : i32
    %dma_wait3A_329 = arith.constant 1 : i32
    %dma_wait3A_330 = arith.constant 1 : i32
    %dma_wait3A_331 = arith.constant 0 : i32
    %dma_wait3A_332 = arith.constant 0 : i32
    %dma_wait3A_333 = tpu.memref_slice %arg6[%dma_wait3A_329, %dma_wait3A_331, %dma_wait3A_332] : memref<4x256x64xf32, #tpu.memory_space<vmem>> -> memref<1x256x64xf32, #tpu.memory_space<vmem>>
    %dma_wait3A_334 = tpu.memref_squeeze %dma_wait3A_333 : memref<1x256x64xf32, #tpu.memory_space<vmem>> -> memref<256x64xf32, #tpu.memory_space<vmem>>
    %dma_wait3A_335 = arith.constant 0 : i32
    %dma_wait3A_336 = tpu.memref_slice %arg4[%add3A_328, %dma_wait3A_335] : memref<819200x128xf32, #tpu.memory_space<hbm>> -> memref<256x64xf32, #tpu.memory_space<hbm>>
    %dma_wait3A_337 = tpu.memref_slice %arg9[%dma_wait3A_330] : memref<4x!tpu.dma_semaphore, #tpu.memory_space<semaphore_mem>> -> memref<1x!tpu.dma_semaphore, #tpu.memory_space<semaphore_mem>>
    %dma_wait3A_338 = tpu.memref_squeeze %dma_wait3A_337 : memref<1x!tpu.dma_semaphore, #tpu.memory_space<semaphore_mem>> -> memref<!tpu.dma_semaphore, #tpu.memory_space<semaphore_mem>>
    %dma_wait3A_339 = arith.constant 0 : i32
    %dma_wait3A_340 = tpu.memref_slice %arg4[%add3A_328, %dma_wait3A_339] : memref<819200x128xf32, #tpu.memory_space<hbm>> -> memref<256x64xf32, #tpu.memory_space<hbm>>
    %dma_wait3A_341 = arith.constant 0 : i32
    %dma_wait3A_342 = arith.constant 0 : i32
    %dma_wait3A_343 = tpu.memref_slice %arg6[%dma_wait3A_329, %dma_wait3A_341, %dma_wait3A_342] : memref<4x256x64xf32, #tpu.memory_space<vmem>> -> memref<1x256x64xf32, #tpu.memory_space<vmem>>
    %dma_wait3A_344 = tpu.memref_squeeze %dma_wait3A_343 : memref<1x256x64xf32, #tpu.memory_space<vmem>> -> memref<256x64xf32, #tpu.memory_space<vmem>>
    tpu.wait_dma2 semaphore(%dma_wait3A_338 : memref<!tpu.dma_semaphore, #tpu.memory_space<semaphore_mem>>) src(%dma_wait3A_344 : memref<256x64xf32, #tpu.memory_space<vmem>>) dst(%dma_wait3A_340 : memref<256x64xf32, #tpu.memory_space<hbm>>)
    %add3A_345 = arith.constant 25088 : i32
    %add3A_346 = arith.addi %mul3A_2, %add3A_345 : i32
    %dma_wait3A_347 = arith.constant 2 : i32
    %dma_wait3A_348 = arith.constant 2 : i32
    %dma_wait3A_349 = arith.constant 0 : i32
    %dma_wait3A_350 = arith.constant 0 : i32
    %dma_wait3A_351 = tpu.memref_slice %arg6[%dma_wait3A_347, %dma_wait3A_349, %dma_wait3A_350] : memref<4x256x64xf32, #tpu.memory_space<vmem>> -> memref<1x256x64xf32, #tpu.memory_space<vmem>>
    %dma_wait3A_352 = tpu.memref_squeeze %dma_wait3A_351 : memref<1x256x64xf32, #tpu.memory_space<vmem>> -> memref<256x64xf32, #tpu.memory_space<vmem>>
    %dma_wait3A_353 = arith.constant 0 : i32
    %dma_wait3A_354 = tpu.memref_slice %arg4[%add3A_346, %dma_wait3A_353] : memref<819200x128xf32, #tpu.memory_space<hbm>> -> memref<256x64xf32, #tpu.memory_space<hbm>>
    %dma_wait3A_355 = tpu.memref_slice %arg9[%dma_wait3A_348] : memref<4x!tpu.dma_semaphore, #tpu.memory_space<semaphore_mem>> -> memref<1x!tpu.dma_semaphore, #tpu.memory_space<semaphore_mem>>
    %dma_wait3A_356 = tpu.memref_squeeze %dma_wait3A_355 : memref<1x!tpu.dma_semaphore, #tpu.memory_space<semaphore_mem>> -> memref<!tpu.dma_semaphore, #tpu.memory_space<semaphore_mem>>
    %dma_wait3A_357 = arith.constant 0 : i32
    %dma_wait3A_358 = tpu.memref_slice %arg4[%add3A_346, %dma_wait3A_357] : memref<819200x128xf32, #tpu.memory_space<hbm>> -> memref<256x64xf32, #tpu.memory_space<hbm>>
    %dma_wait3A_359 = arith.constant 0 : i32
    %dma_wait3A_360 = arith.constant 0 : i32
    %dma_wait3A_361 = tpu.memref_slice %arg6[%dma_wait3A_347, %dma_wait3A_359, %dma_wait3A_360] : memref<4x256x64xf32, #tpu.memory_space<vmem>> -> memref<1x256x64xf32, #tpu.memory_space<vmem>>
    %dma_wait3A_362 = tpu.memref_squeeze %dma_wait3A_361 : memref<1x256x64xf32, #tpu.memory_space<vmem>> -> memref<256x64xf32, #tpu.memory_space<vmem>>
    tpu.wait_dma2 semaphore(%dma_wait3A_356 : memref<!tpu.dma_semaphore, #tpu.memory_space<semaphore_mem>>) src(%dma_wait3A_362 : memref<256x64xf32, #tpu.memory_space<vmem>>) dst(%dma_wait3A_358 : memref<256x64xf32, #tpu.memory_space<hbm>>)
    %add3A_363 = arith.constant 25344 : i32
    %add3A_364 = arith.addi %mul3A_2, %add3A_363 : i32
    %dma_wait3A_365 = arith.constant 3 : i32
    %dma_wait3A_366 = arith.constant 3 : i32
    %dma_wait3A_367 = arith.constant 0 : i32
    %dma_wait3A_368 = arith.constant 0 : i32
    %dma_wait3A_369 = tpu.memref_slice %arg6[%dma_wait3A_365, %dma_wait3A_367, %dma_wait3A_368] : memref<4x256x64xf32, #tpu.memory_space<vmem>> -> memref<1x256x64xf32, #tpu.memory_space<vmem>>
    %dma_wait3A_370 = tpu.memref_squeeze %dma_wait3A_369 : memref<1x256x64xf32, #tpu.memory_space<vmem>> -> memref<256x64xf32, #tpu.memory_space<vmem>>
    %dma_wait3A_371 = arith.constant 0 : i32
    %dma_wait3A_372 = tpu.memref_slice %arg4[%add3A_364, %dma_wait3A_371] : memref<819200x128xf32, #tpu.memory_space<hbm>> -> memref<256x64xf32, #tpu.memory_space<hbm>>
    %dma_wait3A_373 = tpu.memref_slice %arg9[%dma_wait3A_366] : memref<4x!tpu.dma_semaphore, #tpu.memory_space<semaphore_mem>> -> memref<1x!tpu.dma_semaphore, #tpu.memory_space<semaphore_mem>>
    %dma_wait3A_374 = tpu.memref_squeeze %dma_wait3A_373 : memref<1x!tpu.dma_semaphore, #tpu.memory_space<semaphore_mem>> -> memref<!tpu.dma_semaphore, #tpu.memory_space<semaphore_mem>>
    %dma_wait3A_375 = arith.constant 0 : i32
    %dma_wait3A_376 = tpu.memref_slice %arg4[%add3A_364, %dma_wait3A_375] : memref<819200x128xf32, #tpu.memory_space<hbm>> -> memref<256x64xf32, #tpu.memory_space<hbm>>
    %dma_wait3A_377 = arith.constant 0 : i32
    %dma_wait3A_378 = arith.constant 0 : i32
    %dma_wait3A_379 = tpu.memref_slice %arg6[%dma_wait3A_365, %dma_wait3A_377, %dma_wait3A_378] : memref<4x256x64xf32, #tpu.memory_space<vmem>> -> memref<1x256x64xf32, #tpu.memory_space<vmem>>
    %dma_wait3A_380 = tpu.memref_squeeze %dma_wait3A_379 : memref<1x256x64xf32, #tpu.memory_space<vmem>> -> memref<256x64xf32, #tpu.memory_space<vmem>>
    tpu.wait_dma2 semaphore(%dma_wait3A_374 : memref<!tpu.dma_semaphore, #tpu.memory_space<semaphore_mem>>) src(%dma_wait3A_380 : memref<256x64xf32, #tpu.memory_space<vmem>>) dst(%dma_wait3A_376 : memref<256x64xf32, #tpu.memory_space<hbm>>)
    return
  }
}

</mosaic_0001>

<sc_bundles>
// kernel: kernel.3.cloned.1.call-start
scs
__scs_entry_jumppad:
0x0: {  	(pc) =	sbr.rel $0x88, $3  }
0x1: {  	(tag) =	ssettag $0x0;
	lr =	simm.s32 $0x1  }
0x2: {  	[smem:$0x3F9F] =	sst lr;
	_ =	strace $0xD0000000  }
0x3: {  	_ = 	snop  }
0x4: {  	_ = 	snop  }
0x5: {  	_ = 	snop  }
0x6: {  	_ = 	snop  }
0x7: {  	_ = 	snop  }
__scs_overlays_trampoline_lowered:
0x8: {  	[smem:$0x3FAE] =	sst s0  }
0x9: {  	[smem:$0x3FAF] =	sst s1  }
0xa: {  	[smem:$0x3FB0] =	sst s2  }
0xb: {  	[smem:$0x3FB1] =	sst s3  }
0xc: {  	[smem:$0x3FB2] =	sst s4  }
0xd: {  	[smem:$0x3FB3] =	sst s5  }
0xe: {  	[smem:$0x3FB4] =	sst s6  }
0xf: {  	[smem:$0x3FB5] =	sst s7  }
0x10: {  	[smem:$0x3FB6] =	sst s8  }
0x11: {  	[smem:$0x3FB7] =	sst s9;
	s0 =	simm.s32 @!p0 $0x0  }
0x12: {  	s1 =	sld [smem:$0x3F9D];
	s0 =	simm.s32 @p0 $0x1  }
0x13: {  	[smem:$0x3FB8] =	sst s0;
	s0 =	simm.s32 @!p1 $0x0  }
0x14: {  	s2 =	sld [smem:$0x3F9C];
	s0 =	simm.s32 @p1 $0x1  }
0x15: {  	[smem:$0x3FB9] =	sst s0;
	s0 =	simm.s32 @!p2 $0x0  }
0x16: {  	s3 =	sld [smem:$0x3FDB];
	s0 =	simm.s32 @p2 $0x1  }
0x17: {  	s4 =	simm.s32 $0x1BF5;
	[smem:$0x3FBB] =	sst s0  }
0x18: {  	s0 =	sld [smem:$0x3F9E];
	_ =	swait.ge [sflag:s4], $0x0  }
0x19: {  	s7 =	sld [smem:$0x3F9F]  }
0x1a: {  	s8 =	sadd.s32 $0xFFFFE003, lr  }
0x1b: {  	s9 =	sadd.s32 $0xFFFFFEF7, lr;
	s5 =	simm.s32 $0xFFFFFFFF;
	p2 =	slt.u32 s8, $0xFFFFF086  }
0x1c: {  	p1 =	slt.u32 s9, $0xF7A;
	s5 =	simm.s32 @!p2 $0x0  }
0x1d: {  	s5 =	simm.s32 @p1 $0x1;
	p0 =	seq.s32 s7, s2  }
0x1e: {  	s7 =	smul.u32 @!p0 $0xF7A, s2;
	p2 =	seq.s32 @!p0 s5, $0x0  }
0x1f: {  	s9 =	smul.u32 $0xF7A, s1;
	s8 =	simm.s32 @!p0 $0x1BF5;
	p2 =	por !p2, p0  }
0x20: {  	[sflag:s8] =	ssyncset.s32 @!p0 $0xFFFFF086;
	s6 =	sadd.s32 @!p0 s3, s7;
	s7 =	simm.s32 @!p0 $0x108  }
0x21: {  	s3 =	sadd.s32 s3, s9;
	s6 =	sadd.s32 @!p0 $0x88, s6;
	s7 =	simm.s32 @p2 $0x1082  }
0x22: {  	[simem:s7], [sflag:s8] =	dma.local @!p0 [hbm:s6], $0xF7A  }
0x23: {  	s9 =	sor.u32 $0xD0000000, s2;
	s6 =	simm.s32 $0x108;
	_ =	swait.ge @!p0 [sflag:s8], $0x0  }
0x24: {  	s3 =	sadd.s32 $0x88, s3;
	s6 =	simm.s32 @!p1 $0x1082;
	[sflag:s4] =	ssyncset.s32 $0xFFFFF086  }
0x25: {  	[simem:s6], [sflag:s4] =	dma.local [hbm:s3], $0xF7A  }
0x26: {  	[smem:$0x3F9F] =	sst s1;
	(tag) =	ssettag s2;
	_ =	strace s9  }
0x27: {  	s1 =	sld [smem:$0x3FAF]  }
0x28: {  	s2 =	sld [smem:$0x3FB0]  }
0x29: {  	s4 =	sld [smem:$0x3FB2]  }
0x2a: {  	p0 =	seq.s32 s5, $0x0;
	s5 =	sld [smem:$0x3FB3]  }
0x2b: {  	s6 =	sld [smem:$0x3FB4]  }
0x2c: {  	s7 =	sld [smem:$0x3FB5]  }
0x2d: {  	s3 =	simm.s32 $0x108;
	s8 =	sld [smem:$0x3FB6]  }
0x2e: {  	s3 =	simm.s32 @!p0 $0x1082;
	s9 =	sld [smem:$0x3FB7]  }
0x2f: {  	lr =	sadd.s32 s0, s3;
	s0 =	sld [smem:$0x3FAE]  }
0x30: {  	s3 =	sld [smem:$0x3FB1]  }
0x31: {  	[smem:$0x3FBA] =	sst s10  }
0x32: {  	s10 =	sld [smem:$0x3FB8];
	_ =	sdelay $0x3  }
0x33: {  	p0 =	seq.s32 s10, $0x1;
	s10 =	sld [smem:$0x3FBA];
	_ =	sdelay $0x3  }
0x34: {  	[smem:$0x3FBA] =	sst s10  }
0x35: {  	s10 =	sld [smem:$0x3FB9];
	_ =	sdelay $0x3  }
0x36: {  	p1 =	seq.s32 s10, $0x1;
	s10 =	sld [smem:$0x3FBA];
	_ =	sdelay $0x3  }
0x37: {  	[smem:$0x3FBA] =	sst s10  }
0x38: {  	s10 =	sld [smem:$0x3FBB]  }
0x39: {  	_ = 	snop;
	(pc) =	sbr.ind lr, $3  }
0x3a: {  	_ = 	snop  }
0x3b: {  	_ = 	snop  }
0x3c: {  	p2 =	seq.s32 s10, $0x1;
	s10 =	sld [smem:$0x3FBA]  }
0x3d: {  	_ =	shalt  }
0x3e: {  	_ =	shalt  }
0x3f: {  	_ =	shalt  }
0x40: {  	_ =	shalt  }
0x41: {  	_ =	shalt  }
0x42: {  	_ =	shalt  }
0x43: {  	_ =	shalt  }
0x44: {  	_ =	shalt  }
0x45: {  	_ =	shalt  }
0x46: {  	_ =	shalt  }
0x47: {  	_ =	shalt  }
0x48: {  	_ =	shalt  }
0x49: {  	_ =	shalt  }
0x4a: {  	_ =	shalt  }
0x4b: {  	_ =	shalt  }
0x4c: {  	_ =	shalt  }
0x4d: {  	_ =	shalt  }
0x4e: {  	_ =	shalt  }
0x4f: {  	_ =	shalt  }
0x50: {  	_ =	shalt  }
0x51: {  	_ =	shalt  }
0x52: {  	_ =	shalt  }
0x53: {  	_ =	shalt  }
0x54: {  	_ =	shalt  }
0x55: {  	_ =	shalt  }
0x56: {  	_ =	shalt  }
0x57: {  	_ =	shalt  }
0x58: {  	_ =	shalt  }
0x59: {  	_ =	shalt  }
0x5a: {  	_ =	shalt  }
0x5b: {  	_ =	shalt  }
0x5c: {  	_ =	shalt  }
0x5d: {  	_ =	shalt  }
0x5e: {  	_ =	shalt  }
0x5f: {  	_ =	shalt  }
0x60: {  	_ =	shalt  }
0x61: {  	_ =	shalt  }
0x62: {  	_ =	shalt  }
0x63: {  	_ =	shalt  }
0x64: {  	_ =	shalt  }
0x65: {  	_ =	shalt  }
0x66: {  	_ =	shalt  }
0x67: {  	_ =	shalt  }
0x68: {  	_ =	shalt  }
0x69: {  	_ =	shalt  }
0x6a: {  	_ =	shalt  }
0x6b: {  	_ =	shalt  }
0x6c: {  	_ =	shalt  }
0x6d: {  	_ =	shalt  }
0x6e: {  	_ =	shalt  }
0x6f: {  	_ =	shalt  }
0x70: {  	_ =	shalt  }
0x71: {  	_ =	shalt  }
0x72: {  	_ =	shalt  }
0x73: {  	_ =	shalt  }
0x74: {  	_ =	shalt  }
0x75: {  	_ =	shalt  }
0x76: {  	_ =	shalt  }
0x77: {  	_ =	shalt  }
0x78: {  	_ =	shalt  }
0x79: {  	_ =	shalt  }
0x7a: {  	_ =	shalt  }
0x7b: {  	_ =	shalt  }
0x7c: {  	_ =	shalt  }
0x7d: {  	_ =	shalt  }
0x7e: {  	_ =	shalt  }
0x7f: {  	_ =	shalt  }
0x80: {  	_ =	shalt  }
0x81: {  	_ =	shalt  }
0x82: {  	_ =	shalt  }
0x83: {  	_ =	shalt  }
0x84: {  	_ =	shalt  }
0x85: {  	_ =	shalt  }
0x86: {  	_ =	shalt  }
0x87: {  	_ =	shalt  }
.Lfunc_end0:
.L_simem_size_0:
called_computation.1_lowered:
.L_overlay_start_0:
0x88: {  	s2 =	sld [smem:$0x3FD9]  }
0x89: {  	s3 =	sld [smem:$0x3FFE];
	_ =	sdelay $0x1  }
0x8a: {  	s1 =	srdreg.scid  }
0x8b: {  	s0 =	sand.u32 $0x1, s1  }
0x8c: {  	s17 =	sshll.u32 s0, $0xA;
	s2 =	sadd.s32 s3, s2  }
0x8d: {  	s2 =	sadd.s32 s2, s17  }
0x8e: {  	[smem:$0x3FC6] =	sst s2  }
0x8f: {  	_ = 	snop  }
0x90: {  	s2 =	sld [smem:$0x3FD0];
	(tm) =	ssettm $0x1  }
0x91: {  	s18 =	sld [smem:$0x3FFB];
	_ =	sdelay $0x3  }
0x92: {  	_ =	strace s18  }
0x93: {  	s3 =	sld [smem:$0x3FFC];
	_ =	sdelay $0x3  }
0x94: {  	_ =	strace s3  }
0x95: {  	s3 =	sld [smem:$0x3FFD];
	_ =	sdelay $0x3  }
0x96: {  	_ =	strace s3  }
0x97: {  	_ =	strace $0x8FFFFFFF  }
0x98: {  	s19 =	sld [smem:$0x3FDB];
	_ =	sdelay $0x1  }
0x99: {  	s4 =	simm.s32 $_scs_section_size  }
0x9a: {  	s5 =	simm.s32 $_size__tile_overlayer_lowered;
	s6 =	simm.s32 $_tile_overlayer_lowered  }
0x9b: {  	s22 =	simm.s32 $0x1BFF;
	s21 =	sshll.u32 s6, $0x1;
	s3 =	sadd.s32 s4, s19  }
0x9c: {  	s7 =	simm.s32 $0x0;
	s20 =	sshll.u32 s5, $0x1;
	s5 =	sadd.s32 s21, s3  }
0x9d: {  	[timem:s7], [sflag:s22] =	dma.local [hbm:s5], s20  }
0x9e: {  	_ =	swait.ge [sflag:s22], s20  }
0x9f: {  	s4 =	ssub.s32 $0x0, s20;
	[sflag:s22] =	ssyncset.done $0x0  }
0xa0: {  	[sflag:s22] =	ssyncadd.s32 s4;
	_ =	sdelay $0x1  }
0xa1: {  	s23 =	simm.s32 $0x1B8B  }
0xa2: {  	_ =	swait.ge [sflag:s23], $0x1  }
0xa3: {  	[sflag:s23] =	ssyncset.done $0x0  }
0xa4: {  	s25 =	simm.s32 $0x1B8E;
	s24 =	sld [smem:$0x3FFE];
	[sflag:s23] =	ssyncadd.s32 $0xFFFFFFFF  }
0xa5: {  	s26 =	simm.s32 $execute0_lowered;
	[smem:$0x3FD2] =	sst s25  }
0xa6: {  	s5 =	sshll.u32 s26, $0x1;
	_ =	strace $0x80000046;
	[dreg:$0x1] =	wrdreg $0xFFFFFFFF  }
0xa7: {  	s28 =	simm.s32 $_size_execute0_lowered;
	s3 =	sadd.s32 s3, s5;
	[dreg:$0x0] =	wrdreg $0x0  }
0xa8: {  	s5 =	sshll.u32 s28, $0x1;
	[dreg:$0x2] =	wrdreg s3  }
0xa9: {  	[dreg:$0x3] =	wrdreg s5  }
0xaa: {  	[dreg:$0x4] =	wrdreg $0xC0  }
0xab: {  	_ =	task [dreg:s7], $0x5FFFF  }
0xac: {  	[dreg:$0x1] =	wrdreg $0xFFFFFFFF  }
0xad: {  	[dreg:$0x0] =	wrdreg $0x60  }
0xae: {  	[dreg:$0x2] =	wrdreg s2  }
0xaf: {  	[dreg:$0x3] =	wrdreg s24  }
0xb0: {  	[dreg:$0x4] =	wrdreg $0x9  }
0xb1: {  	_ =	task.clear_ibuf [dreg:s7], $0x5FFFF;
	_ =	strace $0x90000046  }
0xb2: {  	s29 =	simm.s32 $0x9;
	_ =	strace $0x80000048  }
0xb3: {  	_ =	swait.ge [sflag:s29], $0x1  }
0xb4: {  	[sflag:s29] =	ssyncadd.s32 $0xFFFFFFFF  }
0xb5: {  	_ =	strace $0x90000048  }
0xb6: {  	_ =	sfence  }
0xb7: {  	s30 =	sld [smem:$0x0];
	_ =	sdelay $0x2  }
0xb8: {  	s31 =	sshll.u32 s1, $0xD;
	s1 =	sshrl.u32 s1, $0x2  }
0xb9: {  	s3 =	sand.u32 $0x4000, s31;
	s1 =	sadd.s32 s1, s30  }
0xba: {  	s0 =	sor.u32 s3, s0;
	s1 =	sshll.u32 s1, $0x11  }
0xbb: {  	s0 =	sor.u32 s1, s0  }
0xbc: {  	s0 =	sadd.s32 $0x8F2B, s0  }
0xbd: {  	[sflag:s0] =	ssyncadd.remote.s32 $0x1  }
0xbe: {  	_ =	sfence.sel $0xFFFF  }
0xbf: {  	[dreg:$0x0] =	wrdreg $0xFFFFFFFF;
	(pc) =	sbr.abs _section_cstart, $3  }
0xc0: {  	[dreg:$0x1] =	wrdreg $0xFFFFFFFF  }
0xc1: {  	_ =	task.clear_ibuf [dreg:s7], $0x2FFFF;
	_ =	strace $0x9FFFFFFF  }
0xc2: {  	(tm) =	ssettm $0x7FFFFFFF  }
0xc3: {  	_ =	shalt  }
tec
execute0_lowered:
.L_overlay_start_1:
0x0: {  	(tag) =	ssettag $0x1  }
0x1: {  	s1 =	rddreg [dreg:$0x0]  }
0x2: {  	s0 =	rddreg [dreg:$0x1];
	s3 =	simm.s32 $0x0  }
0x3: {  	s2 =	srdreg.scid;
	s10 =	stileid.u32;
	s28 =	simm.s32 $0x4  }
0x4: {  	s30 =	simm.s32 $0x5;
	s31 =	simm.s32 $0x40;
	s9 =	smul.u32 $0x640000, s10  }
0x5: {  	s29 =	simm.s32 $0x8400;
	s2 =	sand.u32 $0x1, s2;
	s26 =	smul.u32 $0xC800, s10  }
0x6: {  	[smem:$0x7FF] =	sst s3;
	s4 =	sshll.u32 s10, $0x1;
	s24 =	smul.u32 $0x320000, s2  }
0x7: {  	s5 =	sor.u32 s2, s4;
	s7 =	ssub.s32 $0x2, s2;
	s2 =	smul.u32 $0x6400, s2  }
0x8: {  	s10 =	simm.s32 $0xB;
	_ =	strace $0x80000047;
	s6 =	smul.u32 $0x6400, s5  }
0x9: {  	s4 =	sadd.s32 $0xF42E00, s0;
	s5 =	smul.u32 $0x320000, s5;
	s8 =	sshrl.u32 s7, $0x1  }
0xa: {  	s0 =	sadd.s32 $0xA00, s0;
	s7 =	ssub.s32 s7, s8;
	s2 =	sadd.s32 s2, s26  }
0xb: {  	s8 =	simm.s32 $0x9;
	s6 =	sshrl.u32 s6, $0x3;
	s5 =	sshrl.u32 s5, $0x3  }
0xc: {  	s18 =	sshll.u32 s2, $0x4;
	s7 =	smax.u32 s7, $0x1;
	s20 =	sadd.s32 $0x700, s2  }
0xd: {  	s23 =	sadd.s32 $0x600, s2;
	s26 =	sadd.s32 $0x400, s2;
	[dreg:$0xf] =	wrdreg s7  }
0xe: {  	s11 =	sadd.s32 s1, s6;
	s5 =	sadd.s32 s0, s5;
	[dreg:$0x13] =	wrdreg s26  }
0xf: {  	s6 =	sadd.s32 s24, s9;
	s25 =	sadd.s32 $0x20, s11;
	[dreg:$0x7] =	wrdreg s11  }
0x10: {  	s21 =	sshrl.u32 s20, $0x3;
	s12 =	sadd.s32 $0x40, s11;
	[dreg:$0x8] =	wrdreg s25  }
0x11: {  	s24 =	sadd.s32 $0x500, s2;
	s13 =	sadd.s32 $0x60, s11;
	[dreg:$0x9] =	wrdreg s12  }
0x12: {  	s2 =	simm.s32 $0x6;
	s14 =	sadd.s32 $0x60000, s5;
	[dreg:$0xa] =	wrdreg s13  }
0x13: {  	s7 =	simm.s32 $0x8;
	s15 =	sadd.s32 $0x61000, s5;
	[dreg:$0xb] =	wrdreg s14  }
0x14: {  	s9 =	simm.s32 $0xA;
	s16 =	sadd.s32 $0x62000, s5;
	[dreg:$0xc] =	wrdreg s15  }
0x15: {  	s5 =	sadd.s32 $0x63000, s5;
	s17 =	sshrl.u32 s6, $0x3;
	[dreg:$0xd] =	wrdreg s16  }
0x16: {  	s6 =	simm.s32 $0x7;
	s11 =	simm.s32 $0xC;
	[dreg:$0xe] =	wrdreg s5  }
0x17: {  	s5 =	sadd.s32 s17, s0;
	s0 =	sadd.s32 s18, s0;
	s25 =	sshrl.u32 s24, $0x3  }
0x18: {  	s18 =	simm.s32 $0x100;
	[dreg:$0x3] =	wrdreg s5;
	s19 =	sadd.s32 $0x3000, s0  }
0x19: {  	s17 =	simm.s32 $0x200;
	s5 =	sadd.s32 s21, s1;
	[dreg:$0x4] =	wrdreg s19  }
0x1a: {  	s22 =	sadd.s32 $0x2000, s0;
	s0 =	sadd.s32 $0x1000, s0;
	[dreg:$0x10] =	wrdreg s5  }
0x1b: {  	s21 =	simm.s32 $0x1;
	[dreg:$0x5] =	wrdreg s22;
	s5 =	sshrl.u32 s23, $0x3  }
0x1c: {  	[dreg:$0x6] =	wrdreg s0;
	s0 =	sadd.s32 s25, s1;
	s23 =	simm.s32 $0x2  }
0x1d: {  	s25 =	simm.s32 $0x3;
	s5 =	sadd.s32 s5, s1;
	[dreg:$0x12] =	wrdreg s0  }
0x1e: {  	s0 =	simm.s32 $0x80;
	[dreg:$0x11] =	wrdreg s5;
	s5 =	simm.s32 $0x0  }
.LBB2_1:
0x1f: {  	[dreg:$0x14] =	wrdreg s5  }
0x20: {  	s20 =	rddreg [dreg:$0x7]  }
0x21: {  	[tilespmem:s3], [sflag:$0x1] =	stream.linear.gather [hbm4b:s20+s3], $0x100, $0x38;
	[tilespmem:$0x10400] =	vst v63  }
0x22: {  	s22 =	rddreg [dreg:$0x8]  }
0x23: {  	[tilespmem:s18], [sflag:$0x2] =	stream.linear.gather [hbm4b:s22+s3], $0x100, $0x38;
	[tilespmem:$0x10400] =	vst v63  }
0x24: {  	s24 =	rddreg [dreg:$0x9]  }
0x25: {  	[tilespmem:s17], [sflag:$0x3] =	stream.linear.gather [hbm4b:s24+s3], $0x100, $0x38;
	[tilespmem:$0x10400] =	vst v63  }
0x26: {  	s26 =	rddreg [dreg:$0xa];
	s19 =	simm.s32 $0x300  }
0x27: {  	[tilespmem:s19], [sflag:$0x4] =	stream.linear.gather [hbm4b:s26+s3], $0x100, $0x38;
	[tilespmem:$0x10400] =	vst v63  }
0x28: {  	_ =	swait.ge [sflag:s21], $0x100  }
0x29: {  	[sflag:s21] =	ssyncset.done $0x0  }
0x2a: {  	s20 =	simm.s32 $0x400;
	[sflag:s21] =	ssyncadd.s32 $0xFFFFFF00  }
0x2b: {  	[tilespmem:s20], [sflag:$0x5] =	stream.indirect.gather [hbm4b:s4+s18], $0x40, s3, s18, $0xb8;
	[tilespmem:$0x10400] =	vst v63  }
0x2c: {  	_ =	swait.ge [sflag:s23], $0x100  }
0x2d: {  	[sflag:s23] =	ssyncset.done $0x0  }
0x2e: {  	s22 =	simm.s32 $0x4400;
	[sflag:s23] =	ssyncadd.s32 $0xFFFFFF00  }
0x2f: {  	[tilespmem:s22], [sflag:$0x6] =	stream.indirect.gather [hbm4b:s4+s18], $0x40, s18, s18, $0xb8;
	[tilespmem:$0x10400] =	vst v63  }
0x30: {  	_ =	swait.ge [sflag:s25], $0x100  }
0x31: {  	[sflag:s25] =	ssyncset.done $0x0  }
0x32: {  	s24 =	simm.s32 $0x8400;
	[sflag:s25] =	ssyncadd.s32 $0xFFFFFF00  }
0x33: {  	[tilespmem:s24], [sflag:$0x7] =	stream.indirect.gather [hbm4b:s4+s18], $0x40, s17, s18, $0xb8;
	[tilespmem:$0x10400] =	vst v63  }
0x34: {  	_ =	swait.ge [sflag:s28], $0x100  }
0x35: {  	[sflag:s28] =	ssyncset.done $0x0  }
0x36: {  	s26 =	simm.s32 $0xC400;
	[sflag:s28] =	ssyncadd.s32 $0xFFFFFF00  }
0x37: {  	[tilespmem:s26], [sflag:$0x8] =	stream.indirect.gather [hbm4b:s4+s18], $0x40, s19, s18, $0xb8;
	[tilespmem:$0x10400] =	vst v63  }
0x38: {  	_ =	swait.ge [sflag:s30], $0x4000  }
0x39: {  	s15 =	rddreg [dreg:$0x13]  }
0x3a: {  	[sflag:s30] =	ssyncset.done $0x0;
	s12 =	sshrl.u32 s15, $0x3  }
0x3b: {  	s13 =	rddreg [dreg:$0x3];
	[sflag:s30] =	ssyncadd.s32 $0xFFFFC000;
	s5 =	sadd.s32 s1, s12  }
0x3c: {  	[tilespmem:s3], [sflag:$0x1] =	stream.linear.gather [hbm4b:s5+s3], $0x100, $0x38;
	[tilespmem:$0x10400] =	vst v63  }
0x3d: {  	s14 =	sadd.s32 $0x0, s13  }
0x3e: {  	[hbm4b:s14+s31] =	stream.strided.scatter [tilespmem:s20], [sflag:$0x9], $0x4000, s0, s31, $0x38;
	[tilespmem:$0x10400] =	vst v63  }
0x3f: {  	_ =	swait.ge [sflag:s2], $0x4000  }
0x40: {  	[sflag:s2] =	ssyncset.done $0x0;
	s16 =	rddreg [dreg:$0x6]  }
0x41: {  	s14 =	rddreg [dreg:$0x12];
	[sflag:s2] =	ssyncadd.s32 $0xFFFFC000  }
0x42: {  	[tilespmem:s18], [sflag:$0x2] =	stream.linear.gather [hbm4b:s14+s3], $0x100, $0x38;
	[tilespmem:$0x10400] =	vst v63  }
0x43: {  	s5 =	sadd.s32 $0x0, s16  }
0x44: {  	[hbm4b:s5+s31] =	stream.strided.scatter [tilespmem:s22], [sflag:$0xA], $0x4000, s0, s31, $0x38;
	[tilespmem:$0x10400] =	vst v63  }
0x45: {  	_ =	swait.ge [sflag:s6], $0x4000  }
0x46: {  	[sflag:s6] =	ssyncset.done $0x0;
	s12 =	rddreg [dreg:$0x5]  }
0x47: {  	s16 =	rddreg [dreg:$0x11];
	[sflag:s6] =	ssyncadd.s32 $0xFFFFC000  }
0x48: {  	[tilespmem:s17], [sflag:$0x3] =	stream.linear.gather [hbm4b:s16+s3], $0x100, $0x38;
	[tilespmem:$0x10400] =	vst v63  }
0x49: {  	s5 =	sadd.s32 $0x0, s12  }
0x4a: {  	[hbm4b:s5+s31] =	stream.strided.scatter [tilespmem:s24], [sflag:$0xB], $0x4000, s0, s31, $0x38;
	[tilespmem:$0x10400] =	vst v63  }
0x4b: {  	_ =	swait.ge [sflag:s7], $0x4000  }
0x4c: {  	[sflag:s7] =	ssyncset.done $0x0;
	s13 =	rddreg [dreg:$0x4]  }
0x4d: {  	s12 =	rddreg [dreg:$0x10];
	[sflag:s7] =	ssyncadd.s32 $0xFFFFC000  }
0x4e: {  	[tilespmem:s19], [sflag:$0x4] =	stream.linear.gather [hbm4b:s12+s3], $0x100, $0x38;
	[tilespmem:$0x10400] =	vst v63  }
0x4f: {  	s5 =	sadd.s32 $0x0, s13  }
0x50: {  	[hbm4b:s5+s31] =	stream.strided.scatter [tilespmem:s26], [sflag:$0xC], $0x4000, s0, s31, $0x38;
	[tilespmem:$0x10400] =	vst v63  }
0x51: {  	_ =	swait.ge [sflag:s8], $0x4000  }
0x52: {  	[sflag:s8] =	ssyncset.done $0x0  }
0x53: {  	[sflag:s8] =	ssyncadd.s32 $0xFFFFC000  }
0x54: {  	_ =	swait.ge [sflag:s21], $0x100  }
0x55: {  	[sflag:s21] =	ssyncset.done $0x0  }
0x56: {  	[sflag:s21] =	ssyncadd.s32 $0xFFFFFF00  }
0x57: {  	[tilespmem:s20], [sflag:$0x5] =	stream.indirect.gather [hbm4b:s4+s18], $0x40, s3, s18, $0xb8;
	[tilespmem:$0x10400] =	vst v63  }
0x58: {  	_ =	swait.ge [sflag:s9], $0x4000  }
0x59: {  	[sflag:s9] =	ssyncset.done $0x0  }
0x5a: {  	[sflag:s9] =	ssyncadd.s32 $0xFFFFC000  }
0x5b: {  	_ =	swait.ge [sflag:s23], $0x100  }
0x5c: {  	[sflag:s23] =	ssyncset.done $0x0  }
0x5d: {  	[sflag:s23] =	ssyncadd.s32 $0xFFFFFF00  }
0x5e: {  	[tilespmem:s22], [sflag:$0x6] =	stream.indirect.gather [hbm4b:s4+s18], $0x40, s18, s18, $0xb8;
	[tilespmem:$0x10400] =	vst v63  }
0x5f: {  	_ =	swait.ge [sflag:s10], $0x4000  }
0x60: {  	[sflag:s10] =	ssyncset.done $0x0  }
0x61: {  	[sflag:s10] =	ssyncadd.s32 $0xFFFFC000  }
0x62: {  	_ =	swait.ge [sflag:s25], $0x100  }
0x63: {  	[sflag:s25] =	ssyncset.done $0x0  }
0x64: {  	[sflag:s25] =	ssyncadd.s32 $0xFFFFFF00  }
0x65: {  	[tilespmem:s24], [sflag:$0x7] =	stream.indirect.gather [hbm4b:s4+s18], $0x40, s17, s18, $0xb8;
	[tilespmem:$0x10400] =	vst v63  }
0x66: {  	_ =	swait.ge [sflag:s11], $0x4000  }
0x67: {  	[sflag:s11] =	ssyncset.done $0x0  }
0x68: {  	s16 =	sadd.s32 $0x80, s16;
	[sflag:s11] =	ssyncadd.s32 $0xFFFFC000  }
0x69: {  	s13 =	simm.s32 $0x4000;
	s19 =	smov.u32 s1;
	_ =	swait.ge [sflag:s28], $0x100  }
0x6a: {  	s5 =	sadd.s32 $0x80, s14;
	s14 =	sadd.s32 $0x400, s15;
	[sflag:s28] =	ssyncset.done $0x0  }
0x6b: {  	s15 =	sadd.s32 $0x80, s12;
	s20 =	simm.s32 $0x200;
	[sflag:s28] =	ssyncadd.s32 $0xFFFFFF00  }
.LBB2_2:
0x6c: {  	s22 =	simm.s32 $0x300;
	s21 =	simm.s32 $0xC400  }
0x6d: {  	[tilespmem:s21], [sflag:$0x8] =	stream.indirect.gather [hbm4b:s4+s18], $0x40, s22, s18, $0xb8;
	[tilespmem:$0x10400] =	vst v63  }
0x6e: {  	_ =	swait.ge [sflag:s30], $0x4000  }
0x6f: {  	s17 =	smov.u32 s13;
	s12 =	sshrl.u32 s14, $0x3;
	[sflag:s30] =	ssyncset.done $0x0  }
0x70: {  	s12 =	sadd.s32 s19, s12;
	s1 =	rddreg [dreg:$0x3];
	[sflag:s30] =	ssyncadd.s32 $0xFFFFC000  }
0x71: {  	[tilespmem:s3], [sflag:$0x1] =	stream.linear.gather [hbm4b:s12+s3], $0x100, $0x38;
	[tilespmem:$0x10400] =	vst v63  }
0x72: {  	s24 =	simm.s32 $0x400;
	s1 =	sadd.s32 s17, s1  }
0x73: {  	[hbm4b:s1+s31] =	stream.strided.scatter [tilespmem:s24], [sflag:$0x9], $0x4000, s0, s31, $0x38;
	[tilespmem:$0x10400] =	vst v63  }
0x74: {  	_ =	swait.ge [sflag:s2], $0x4000  }
0x75: {  	[sflag:s2] =	ssyncset.done $0x0  }
0x76: {  	s26 =	rddreg [dreg:$0x6];
	[sflag:s2] =	ssyncadd.s32 $0xFFFFC000  }
0x77: {  	[tilespmem:s18], [sflag:$0x2] =	stream.linear.gather [hbm4b:s5+s3], $0x100, $0x38;
	[tilespmem:$0x10400] =	vst v63  }
0x78: {  	s1 =	sadd.s32 s17, s26;
	s26 =	simm.s32 $0x4400  }
0x79: {  	[hbm4b:s1+s31] =	stream.strided.scatter [tilespmem:s26], [sflag:$0xA], $0x4000, s0, s31, $0x38;
	[tilespmem:$0x10400] =	vst v63  }
0x7a: {  	_ =	swait.ge [sflag:s6], $0x4000  }
0x7b: {  	[sflag:s6] =	ssyncset.done $0x0  }
0x7c: {  	s12 =	rddreg [dreg:$0x5];
	[sflag:s6] =	ssyncadd.s32 $0xFFFFC000  }
0x7d: {  	[tilespmem:s20], [sflag:$0x3] =	stream.linear.gather [hbm4b:s16+s3], $0x100, $0x38;
	[tilespmem:$0x10400] =	vst v63  }
0x7e: {  	s1 =	sadd.s32 s17, s12  }
0x7f: {  	[hbm4b:s1+s31] =	stream.strided.scatter [tilespmem:s29], [sflag:$0xB], $0x4000, s0, s31, $0x38;
	[tilespmem:$0x10400] =	vst v63  }
0x80: {  	_ =	swait.ge [sflag:s7], $0x4000  }
0x81: {  	[sflag:s7] =	ssyncset.done $0x0  }
0x82: {  	s1 =	rddreg [dreg:$0x4];
	[sflag:s7] =	ssyncadd.s32 $0xFFFFC000  }
0x83: {  	[tilespmem:s22], [sflag:$0x4] =	stream.linear.gather [hbm4b:s15+s3], $0x100, $0x38;
	[tilespmem:$0x10400] =	vst v63  }
0x84: {  	s1 =	sadd.s32 s17, s1  }
0x85: {  	[hbm4b:s1+s31] =	stream.strided.scatter [tilespmem:s21], [sflag:$0xC], $0x4000, s0, s31, $0x38;
	[tilespmem:$0x10400] =	vst v63  }
0x86: {  	_ =	swait.ge [sflag:s8], $0x4000  }
0x87: {  	[sflag:s8] =	ssyncset.done $0x0  }
0x88: {  	s21 =	simm.s32 $0x1;
	[sflag:s8] =	ssyncadd.s32 $0xFFFFC000  }
0x89: {  	_ =	swait.ge [sflag:s21], $0x100  }
0x8a: {  	[sflag:s21] =	ssyncset.done $0x0  }
0x8b: {  	[sflag:s21] =	ssyncadd.s32 $0xFFFFFF00  }
0x8c: {  	[tilespmem:s24], [sflag:$0x5] =	stream.indirect.gather [hbm4b:s4+s18], $0x40, s3, s18, $0xb8;
	[tilespmem:$0x10400] =	vst v63  }
0x8d: {  	_ =	swait.ge [sflag:s9], $0x4000  }
0x8e: {  	[sflag:s9] =	ssyncset.done $0x0  }
0x8f: {  	[sflag:s9] =	ssyncadd.s32 $0xFFFFC000  }
0x90: {  	_ =	swait.ge [sflag:s23], $0x100  }
0x91: {  	[sflag:s23] =	ssyncset.done $0x0  }
0x92: {  	[sflag:s23] =	ssyncadd.s32 $0xFFFFFF00  }
0x93: {  	[tilespmem:s26], [sflag:$0x6] =	stream.indirect.gather [hbm4b:s4+s18], $0x40, s18, s18, $0xb8;
	[tilespmem:$0x10400] =	vst v63  }
0x94: {  	_ =	swait.ge [sflag:s10], $0x4000  }
0x95: {  	[sflag:s10] =	ssyncset.done $0x0  }
0x96: {  	[sflag:s10] =	ssyncadd.s32 $0xFFFFC000  }
0x97: {  	_ =	swait.ge [sflag:s25], $0x100  }
0x98: {  	[sflag:s25] =	ssyncset.done $0x0  }
0x99: {  	[sflag:s25] =	ssyncadd.s32 $0xFFFFFF00  }
0x9a: {  	[tilespmem:s29], [sflag:$0x7] =	stream.indirect.gather [hbm4b:s4+s18], $0x40, s20, s18, $0xb8;
	[tilespmem:$0x10400] =	vst v63  }
0x9b: {  	p0 =	sne.s32 s13, $0x5C000;
	_ =	swait.ge [sflag:s11], $0x4000  }
.Ltmp0:
0x9c: {  	s13 =	sadd.s32 $0x4000, s13;
	[sflag:s11] =	ssyncset.done $0x0;
	(pc) =	sbr.rel @p0 .LBB2_2-.Ltmp0, $4  }
0x9d: {  	s14 =	sadd.s32 $0x400, s14;
	s5 =	sadd.s32 $0x80, s5;
	[sflag:s11] =	ssyncadd.s32 $0xFFFFC000  }
0x9e: {  	s12 =	simm.s32 $0x300;
	s16 =	sadd.s32 $0x80, s16;
	_ =	swait.ge [sflag:s28], $0x100  }
0x9f: {  	s17 =	simm.s32 $0x400;
	s22 =	simm.s32 $0x4400;
	[sflag:s28] =	ssyncset.done $0x0  }
0xa0: {  	s15 =	sadd.s32 $0x80, s15;
	s24 =	simm.s32 $0x8400;
	[sflag:s28] =	ssyncadd.s32 $0xFFFFFF00  }
0xa1: {  	s5 =	simm.s32 $0xC400  }
0xa2: {  	[tilespmem:s5], [sflag:$0x8] =	stream.indirect.gather [hbm4b:s4+s18], $0x40, s12, s18, $0xb8;
	[tilespmem:$0x10400] =	vst v63  }
0xa3: {  	_ =	swait.ge [sflag:s30], $0x4000  }
0xa4: {  	[sflag:s30] =	ssyncset.done $0x0  }
0xa5: {  	s1 =	rddreg [dreg:$0xb];
	[sflag:s30] =	ssyncadd.s32 $0xFFFFC000  }
0xa6: {  	[hbm4b:s1+s31] =	stream.strided.scatter [tilespmem:s17], [sflag:$0x9], $0x4000, s0, s31, $0x38;
	[tilespmem:$0x10400] =	vst v63  }
0xa7: {  	_ =	swait.ge [sflag:s2], $0x4000  }
0xa8: {  	[sflag:s2] =	ssyncset.done $0x0  }
0xa9: {  	s17 =	rddreg [dreg:$0xc];
	[sflag:s2] =	ssyncadd.s32 $0xFFFFC000  }
0xaa: {  	[hbm4b:s17+s31] =	stream.strided.scatter [tilespmem:s22], [sflag:$0xA], $0x4000, s0, s31, $0x38;
	[tilespmem:$0x10400] =	vst v63  }
0xab: {  	_ =	swait.ge [sflag:s6], $0x4000  }
0xac: {  	[sflag:s6] =	ssyncset.done $0x0  }
0xad: {  	s20 =	rddreg [dreg:$0xd];
	[sflag:s6] =	ssyncadd.s32 $0xFFFFC000  }
0xae: {  	[hbm4b:s20+s31] =	stream.strided.scatter [tilespmem:s24], [sflag:$0xB], $0x4000, s0, s31, $0x38;
	[tilespmem:$0x10400] =	vst v63  }
0xaf: {  	_ =	swait.ge [sflag:s7], $0x4000  }
0xb0: {  	[sflag:s7] =	ssyncset.done $0x0  }
0xb1: {  	s22 =	rddreg [dreg:$0xe];
	[sflag:s7] =	ssyncadd.s32 $0xFFFFC000  }
0xb2: {  	[hbm4b:s22+s31] =	stream.strided.scatter [tilespmem:s5], [sflag:$0xC], $0x4000, s0, s31, $0x38;
	[tilespmem:$0x10400] =	vst v63  }
0xb3: {  	_ =	swait.ge [sflag:s8], $0x4000  }
0xb4: {  	[sflag:s8] =	ssyncset.done $0x0  }
0xb5: {  	[sflag:s8] =	ssyncadd.s32 $0xFFFFC000  }
0xb6: {  	_ =	swait.ge [sflag:s9], $0x4000  }
0xb7: {  	[sflag:s9] =	ssyncset.done $0x0  }
0xb8: {  	[sflag:s9] =	ssyncadd.s32 $0xFFFFC000  }
0xb9: {  	_ =	swait.ge [sflag:s10], $0x4000  }
0xba: {  	[sflag:s10] =	ssyncset.done $0x0  }
0xbb: {  	[sflag:s10] =	ssyncadd.s32 $0xFFFFC000  }
0xbc: {  	_ =	swait.ge [sflag:s11], $0x4000  }
0xbd: {  	s24 =	rddreg [dreg:$0x14]  }
0xbe: {  	s26 =	rddreg [dreg:$0xf];
	s5 =	sadd.s32 $0x1, s24  }
0xbf: {  	p0 =	sne.s32 s5, s26  }
.Ltmp1:
0xc0: {  	_ = 	snop;
	(pc) =	sbr.rel @p0 .LBB2_1-.Ltmp1, $3  }
0xc1: {  	_ =	sdelay $0x1  }
0xc2: {  	[sflag:s11] =	ssyncset.done $0x0  }
0xc3: {  	s1 =	smov.u32 s19;
	s17 =	simm.s32 $0x200;
	[sflag:s11] =	ssyncadd.s32 $0xFFFFC000  }
0xc4: {  	_ =	sfence.sel $0x180000  }
0xc5: {  	[bflag:$0x0] =	sbarrier.arrive $0xFFFF  }
0xc6: {  	_ =	strace $0x90000047  }
0xc7: {  	s0 =	stileid.u32;
	[bflag:$0x2] =	sbarrier.arrive $0xFFFF  }
0xc8: {  	p0 =	sne.s32 s0, $0x0;
	s0 =	rddreg [dreg:$0x2]  }
0xc9: {  	s0 =	sadd.s32 @!p0 $0x100000, s0  }
0xca: {  	[sflag:s0] =	ssyncadd.tile.s32 @!p0 $0x1;
	_ =	shalt  }
.Lfunc_end2:
_tile_overlayer_lowered:
.L_overlay_start_2:
0xcb: {  	(tag) =	ssettag $0x2  }
0xcc: {  	s0 =	rddreg [dreg:$0x0];
	s2 =	stileid.u32  }
0xcd: {  	s1 =	rddreg [dreg:$0x1];
	p0 =	sne.s32 s2, $0x0  }
0xce: {  	s3 =	rddreg [dreg:$0x2];
	[bflag:$0x3] =	sbarrier.arrive $0xFFFF;
	s2 =	simm.s32 @!p0 $0x1C0D  }
0xcf: {  	[timem:s3], [sflag:s2] =	dma.local @!p0 [hbm:s0], s1  }
0xd0: {  	s0 =	simm.s32 @!p0 $0xD  }
0xd1: {  	_ =	swait.ge @!p0 [sflag:s0], s1  }
0xd2: {  	s1 =	ssub.s32 @!p0 $0x0, s1;
	[sflag:s0] =	ssyncset.done @!p0 $0x0  }
0xd3: {  	[sflag:s0] =	ssyncadd.s32 @!p0 s1  }
0xd4: {  	[bflag:$0x3] =	sbarrier.arrive $0xFFFF  }
0xd5: {  	_ =	shalt  }

// kernel: sparse-core-data-format-call.cloned.1.call-start
scs
called_computation_lowered:
.L_overlay_start_0:
0x0: {  	s2 =	sld [smem:$0x3FD9]  }
0x1: {  	s3 =	sld [smem:$0x3FFE];
	_ =	sdelay $0x1  }
0x2: {  	s1 =	srdreg.scid  }
0x3: {  	s0 =	sand.u32 $0x1, s1  }
0x4: {  	s18 =	sshll.u32 s0, $0xA;
	s2 =	sadd.s32 s3, s2  }
0x5: {  	s2 =	sadd.s32 s2, s18  }
0x6: {  	[smem:$0x3FC6] =	sst s2  }
0x7: {  	_ = 	snop  }
0x8: {  	s2 =	sld [smem:$0x3FD0];
	(tm) =	ssettm $0x1  }
0x9: {  	s19 =	sld [smem:$0x3FFB];
	_ =	sdelay $0x3  }
0xa: {  	_ =	strace s19  }
0xb: {  	s3 =	sld [smem:$0x3FFC];
	_ =	sdelay $0x3  }
0xc: {  	_ =	strace s3  }
0xd: {  	s3 =	sld [smem:$0x3FFD];
	_ =	sdelay $0x3  }
0xe: {  	_ =	strace s3  }
0xf: {  	_ =	strace $0x8FFFFFFF  }
0x10: {  	s20 =	sld [smem:$0x3FDB];
	_ =	sdelay $0x1  }
0x11: {  	s4 =	simm.s32 $_scs_section_size  }
0x12: {  	s5 =	simm.s32 $_size__tile_overlayer_lowered;
	s6 =	simm.s32 $_tile_overlayer_lowered  }
0x13: {  	s23 =	simm.s32 $0x1BFF;
	s22 =	sshll.u32 s6, $0x1;
	s3 =	sadd.s32 s4, s20  }
0x14: {  	s7 =	simm.s32 $0x0;
	s21 =	sshll.u32 s5, $0x1;
	s5 =	sadd.s32 s22, s3  }
0x15: {  	[timem:s7], [sflag:s23] =	dma.local [hbm:s5], s21  }
0x16: {  	_ =	swait.ge [sflag:s23], s21  }
0x17: {  	s4 =	ssub.s32 $0x0, s21;
	[sflag:s23] =	ssyncset.done $0x0  }
0x18: {  	[sflag:s23] =	ssyncadd.s32 s4;
	_ =	sdelay $0x1  }
0x19: {  	s24 =	simm.s32 $0x1B8B  }
0x1a: {  	_ =	swait.ge [sflag:s24], $0x1  }
0x1b: {  	[sflag:s24] =	ssyncset.done $0x0  }
0x1c: {  	s26 =	simm.s32 $0x1B8E;
	s25 =	sld [smem:$0x3FFE];
	[sflag:s24] =	ssyncadd.s32 $0xFFFFFFFF  }
0x1d: {  	s27 =	simm.s32 $execute0_lowered;
	[smem:$0x3FD2] =	sst s26  }
0x1e: {  	s5 =	sshll.u32 s27, $0x1;
	_ =	strace $0x80000049;
	[dreg:$0x1] =	wrdreg $0xFFFFFFFF  }
0x1f: {  	s28 =	simm.s32 $_size_execute0_lowered;
	s3 =	sadd.s32 s3, s5;
	[dreg:$0x0] =	wrdreg $0x0  }
0x20: {  	s5 =	sshll.u32 s28, $0x1;
	[dreg:$0x2] =	wrdreg s3  }
0x21: {  	[dreg:$0x3] =	wrdreg s5  }
0x22: {  	[dreg:$0x4] =	wrdreg $0xC0  }
0x23: {  	_ =	task [dreg:s7], $0x5FFFF  }
0x24: {  	[dreg:$0x1] =	wrdreg $0xFFFFFFFF  }
0x25: {  	[dreg:$0x0] =	wrdreg $0x60  }
0x26: {  	[dreg:$0x2] =	wrdreg s25  }
0x27: {  	[dreg:$0x3] =	wrdreg s2  }
0x28: {  	[dreg:$0x4] =	wrdreg $0x9  }
0x29: {  	_ =	task.clear_ibuf [dreg:s7], $0x5FFFF;
	_ =	strace $0x90000049  }
0x2a: {  	s29 =	simm.s32 $0x9;
	_ =	strace $0x8000004B  }
0x2b: {  	_ =	swait.ge [sflag:s29], $0x1  }
0x2c: {  	[sflag:s29] =	ssyncadd.s32 $0xFFFFFFFF  }
0x2d: {  	_ =	strace $0x9000004B  }
0x2e: {  	_ =	sfence  }
0x2f: {  	s30 =	sld [smem:$0x0];
	_ =	sdelay $0x2  }
0x30: {  	s31 =	sshll.u32 s1, $0xD;
	s1 =	sshrl.u32 s1, $0x2  }
0x31: {  	s3 =	sand.u32 $0x4000, s31;
	s1 =	sadd.s32 s1, s30  }
0x32: {  	s0 =	sor.u32 s3, s0;
	s1 =	sshll.u32 s1, $0x11  }
0x33: {  	s0 =	sor.u32 s1, s0  }
0x34: {  	s0 =	sadd.s32 $0x8F2B, s0  }
0x35: {  	[sflag:s0] =	ssyncadd.remote.s32 $0x1  }
0x36: {  	_ =	sfence.sel $0xFFFF  }
0x37: {  	[dreg:$0x0] =	wrdreg $0xFFFFFFFF;
	(pc) =	sbr.abs _section_cstart, $3  }
0x38: {  	[dreg:$0x1] =	wrdreg $0xFFFFFFFF  }
0x39: {  	_ =	task.clear_ibuf [dreg:s7], $0x2FFFF;
	_ =	strace $0x9FFFFFFF  }
0x3a: {  	(tm) =	ssettm $0x7FFFFFFF  }
0x3b: {  	_ =	shalt  }
tec
execute0_lowered:
.L_overlay_start_1:
0x0: {  	(tag) =	ssettag $0x1  }
0x1: {  	s0 =	srdreg.scid  }
0x2: {  	s1 =	sshll.u32 s0, $0x4  }
0x3: {  	s0 =	stileid.u32;
	s1 =	sand.u32 $0x10, s1  }
0x4: {  	s1 =	sor.u32 s0, s1  }
0x5: {  	s6 =	rddreg [dreg:$0x0];
	s4 =	simm.s32 $0x1;
	s2 =	sshll.u32 s1, $0x7  }
0x6: {  	s7 =	simm.s32 $0x2;
	s12 =	simm.s32 $0x0;
	s1 =	ssub.s32 $0x1000, s2  }
0x7: {  	s8 =	simm.s32 $0x8000;
	s13 =	simm.s32 $0x0;
	s3 =	sand.u32 $0xF80, s1  }
0x8: {  	s9 =	simm.s32 $0x0;
	s5 =	sshrl.u32 s1, $0xC;
	p0 =	sne.s32 s3, $0x0  }
.Ltmp0:
0x9: {  	s1 =	rddreg [dreg:$0x2];
	s4 =	simm.s32 @!p0 $0x0;
	(pc) =	sbr.rel .LBB1_1-.Ltmp0, $4  }
0xa: {  	s11 =	simm.s32 $0x0;
	s3 =	rddreg [dreg:$0x1];
	s5 =	sadd.s32 s4, s5  }
0xb: {  	_ =	strace $0x8000004A;
	s4 =	simm.s32 $0x1;
	s5 =	smul.u32 $0xC8, s5  }
0xc: {  	s6 =	sadd.s32 $0xA00, s6;
	s10 =	smov.u32 s2;
	[sflag:s4] =	ssyncpa.u1 $0x0  }
0xd: {  	p0 =	por $0x0, $0x0;
	[sflag:s7] =	ssyncpa.u1 $0x0;
	s7 =	sor.u32 $0x1, s5  }
.LBB1_4:
0xe: {  	s16 =	sshll.u32 s13, $0x3;
	s17 =	sand.u32 $0x78, s13  }
0xf: {  	s30 =	sand.u32 $0x7E00, s13;
	s12 =	sshll.u32 s12, $0xF;
	s16 =	sand.u32 $0xC00, s16  }
0x10: {  	[tilespmem:s15+$0x810 ss:$0x81] =	vst.msk $0xffff, v2;
	s31 =	sand.u32 $0x7, s13;
	s16 =	sor.u32 s17, s16;
	s17 =	sadd.s32 s3, s30  }
0x11: {  	[tilespmem:s15+$0x1020 ss:$0x81] =	vst.msk $0xffff, v0;
	s13 =	sshll.u32 s31, $0x12;
	s12 =	sadd.s32 s12, s17;
	s16 =	sshrl.u32 s16, $0x3  }
0x12: {  	[tilespmem:s15+$0x0 ss:$0x81] =	vst.msk $0xffff, v1;
	s13 =	sor.u32 $0x400, s13;
	s12 =	sadd.s32 s16, s12  }
0x13: {  	[hbm4b:s12+s13] =	stream.strided.scatter [tilespmem:s14], [sflag:$0x2], $0x2000, s8, s13, $0x20;
	[tilespmem:$0x8080] =	vst v63  }
.LBB1_5:
0x14: {  	s14 =	sadd.s32 $0x1, s9  }
0x15: {  	s12 =	sadd.s32 $0x1000, s10;
	s16 =	smov.u32 s10;
	p2 =	sgt.s32 s14, $0xC7  }
0x16: {  	s16 =	smov.u32 @p2 s12  }
0x17: {  	s14 =	simm.s32 @p2 $0x0;
	p2 =	sgt.s32 s16, $0xFFF  }
0x18: {  	s16 =	smov.u32 @p2 s2;
	p2 =	sne.s32 s11, s7  }
.Ltmp1:
0x19: {  	p1 =	slt.u32 s11, $0x2;
	(pc) =	sbr.rel @!p2 .LBB1_6-.Ltmp1, $4  }
0x1a: {  	s15 =	simm.s32 @!p1 $0x2  }
0x1b: {  	s13 =	smov.u32 s10;
	p0 =	por !p0, !p0;
	_ =	swait.ge @!p1 [sflag:s15], $0x2000  }
0x1c: {  	s12 =	smov.u32 s9;
	[sflag:s15] =	ssyncset.done @!p1 $0x0;
	s9 =	smov.u32 s14  }
0x1d: {  	s11 =	sadd.s32 $0x1, s11;
	[sflag:s15] =	ssyncadd.s32 @!p1 $0xFFFFE000;
	s10 =	smov.u32 s16  }
.LBB1_1:
0x1e: {  	p1 =	sge.u32 s11, s5  }
0x1f: {  	s14 =	sand.u32 @!p1 $0x1FFFFFF, s9  }
0x20: {  	s15 =	smulhi.u32 @!p1 $0x147AE15, s14;
	_ =	sdelay $0x1  }
0x21: {  	s15 =	smul.u32 @!p1 $0xC8, s15  }
0x22: {  	s16 =	sxor.u32 @!p1 $0xFFFFFFFF, s11;
	s17 =	smul.u32 @!p1 $0xC80, s10  }
0x23: {  	s31 =	sadd.s32 $0xFFFFFFFF, s11;
	s16 =	sshll.u32 @!p1 s16, $0xD;
	s14 =	ssub.s32 @!p1 s14, s15  }
0x24: {  	s15 =	sand.u32 @!p1 $0x2000, s16;
	s16 =	sadd.s32 @!p1 s6, s17;
	s14 =	sshll.u32 @!p1 s14, $0x4  }
0x25: {  	s17 =	simm.s32 @!p1 $0x6400;
	s14 =	sadd.s32 @!p1 s14, s16;
	s16 =	simm.s32 @!p1 $0x40  }
0x26: {  	[tilespmem:s15], [sflag:$0x1] =	stream.strided.gather @!p1 [hbm4b:s14+s16], $0x2000, s17, s16, $0x38;
	[tilespmem:$0x8080] =	vst v63  }
0x27: {  	p1 =	sge.u32 s31, s5  }
.Ltmp2:
0x28: {  	_ = 	snop;
	(pc) =	sbr.rel @p1 .LBB1_5-.Ltmp2, $1  }
0x29: {  	_ =	sdelay $0x3  }
0x2a: {  	s14 =	simm.s32 $0x1  }
0x2b: {  	_ =	swait.ge [sflag:s4], $0x2000;
	s14 =	simm.s32 @!p0 $0x0  }
0x2c: {  	[sflag:s4] =	ssyncset.done $0x0;
	s15 =	sshll.u32 s14, $0xD  }
0x2d: {  	[sflag:s4] =	ssyncadd.s32 $0xFFFFE000;
	s18 =	sor.u32 $0x20, s15  }
0x2e: {  	s14 =	smul.u32 $0x8100, s14;
	v3 =	vld [tilespmem:s18+$0x10]  }
0x2f: {  	s30 =	sand.u32 $0x1, s11;
	v2 =	vld [tilespmem:s18+$0xFFFFFFF0]  }
0x30: {  	s15 =	smul.u32 $0x8100, s30;
	s14 =	sshrl.u32 s14, $0x2;
	v0 =	vld [tilespmem:s18+$0x0]  }
0x31: {  	v1 =	vld [tilespmem:s18+$0xFFFFFFE0];
	s16 =	sor.u32 $0x4000, s14  }
0x32: {  	s31 =	sshrl.u32 s15, $0x2;
	s15 =	sadd.s32 $0x0, s16  }
0x33: {  	s17 =	simm.s32 $0x4;
	s18 =	sadd.s32 $0x40, s18;
	s14 =	sor.u32 $0x4000, s31;
	[tilespmem:s15+$0x1830 ss:$0x81] =	vst.msk $0xffff, v3  }
.LBB1_3:
0x34: {  	v3 =	vld [tilespmem:s18+$0x10];
	p1 =	sne.s32 s17, $0x1FC;
	[tilespmem:s15+$0x810 ss:$0x81] =	vst.msk $0xffff, v2;
	s19 =	smov.u32 s17;
	s17 =	sadd.s32 $0x4, s17  }
.Ltmp3:
0x35: {  	v2 =	vld [tilespmem:s18+$0xFFFFFFF0];
	[tilespmem:s15+$0x1020 ss:$0x81] =	vst.msk $0xffff, v0;
	(pc) =	sbr.rel @p1 .LBB1_3-.Ltmp3, $4  }
0x36: {  	v0 =	vld [tilespmem:s18+$0x0];
	[tilespmem:s15+$0x0 ss:$0x81] =	vst.msk $0xffff, v1  }
0x37: {  	s15 =	sshra.s32 s19, $0x2;
	v1 =	vld [tilespmem:s18+$0xFFFFFFE0]  }
0x38: {  	s15 =	sadd.s32 s15, s16  }
0x39: {  	s18 =	sadd.s32 $0x40, s18;
	[tilespmem:s15+$0x1830 ss:$0x81] =	vst.msk $0xffff, v3  }
.Ltmp4:
0x3a: {  	_ = 	snop;
	(pc) =	sbr.rel .LBB1_4-.Ltmp4, $1  }
0x3b: {  	_ =	sdelay $0x3  }
.LBB1_6:
0x3c: {  	_ =	sfence.sel $0x180000  }
0x3d: {  	s2 =	simm.s32 $0x1;
	[bflag:$0x0] =	sbarrier.arrive $0xFFFF  }
0x3e: {  	s31 =	simm.s32 $0x2;
	[sflag:s2] =	ssyncpa.u1 $0x1  }
0x3f: {  	[sflag:s31] =	ssyncpa.u1 $0x1  }
0x40: {  	p0 =	sne.s32 s0, $0x0;
	_ =	strace $0x9000004A  }
0x41: {  	s0 =	sadd.s32 @!p0 $0x100000, s1;
	[bflag:$0x2] =	sbarrier.arrive $0xFFFF  }
0x42: {  	[sflag:s0] =	ssyncadd.tile.s32 @!p0 $0x1;
	_ =	shalt  }
.Lfunc_end1:
_tile_overlayer_lowered:
.L_overlay_start_2:
0x43: {  	(tag) =	ssettag $0x2  }
0x44: {  	s0 =	rddreg [dreg:$0x0];
	s2 =	stileid.u32  }
0x45: {  	s1 =	rddreg [dreg:$0x1];
	p0 =	sne.s32 s2, $0x0  }
0x46: {  	s3 =	rddreg [dreg:$0x2];
	[bflag:$0x3] =	sbarrier.arrive $0xFFFF;
	s2 =	simm.s32 @!p0 $0x1C01  }
0x47: {  	[timem:s3], [sflag:s2] =	dma.local @!p0 [hbm:s0], s1  }
0x48: {  	s0 =	simm.s32 @!p0 $0x1  }
0x49: {  	_ =	swait.ge @!p0 [sflag:s0], s1  }
0x4a: {  	s1 =	ssub.s32 @!p0 $0x0, s1;
	[sflag:s0] =	ssyncset.done @!p0 $0x0  }
0x4b: {  	[sflag:s0] =	ssyncadd.s32 @!p0 s1  }
0x4c: {  	[bflag:$0x3] =	sbarrier.arrive $0xFFFF  }
0x4d: {  	_ =	shalt  }

</sc_bundles>
